<compile_context>
chip_gen: v7x
topology: tpu7x:2x2x1
jax: 0.10.2.dev20260603
libtpu: 0.0.44.dev20260713+nightly
codegen_flags: <defaults>
</compile_context>

<pallas_src>
import jax
import jax.numpy as jnp
from jax import lax
from jax.experimental import pallas as pl
from jax.experimental.pallas import tpu as pltpu
from jax.experimental.pallas import tpu_sc as plsc

_N = 16384
_TABLE = 1001
_TABLE_PAD = 1008
_L = 16
_NC = 2
_NS = 16
_NW = _NC * _NS
_CHUNK = _N // _NW
_MAGIC = 8388608.0


def _body(t_hbm, gamma_hbm, out_hbm, t_v, gamma_v, out_v, sem_g, sem_t):
    wid = lax.axis_index("s") * _NC + lax.axis_index("c")
    base = wid * _CHUNK
    g_cp = pltpu.async_copy(gamma_hbm, gamma_v, sem_g)
    t_cp = pltpu.async_copy(t_hbm.at[pl.ds(base, _CHUNK)], t_v, sem_t)
    t_cp.wait()
    g_cp.wait()
    for i in range(_CHUNK // _L):
        sl = pl.ds(i * _L, _L)
        x = t_v[sl] * 1000.0
        r = (x + _MAGIC) - _MAGIC
        idx = r.astype(jnp.int32)
        out_v[sl] = plsc.load_gather(gamma_v, [idx])
    pltpu.sync_copy(out_v, out_hbm.at[pl.ds(base, _CHUNK)])


def kernel(t, gamma):
    mesh = plsc.VectorSubcoreMesh(core_axis_name="c", subcore_axis_name="s")
    run = pl.kernel(
        _body,
        mesh=mesh,
        out_type=jax.ShapeDtypeStruct((_N,), jnp.float32),
        scratch_types=[
            pltpu.VMEM((_CHUNK,), jnp.float32),
            pltpu.VMEM((_TABLE,), jnp.float32),
            pltpu.VMEM((_CHUNK,), jnp.float32),
            pltpu.SemaphoreType.DMA,
            pltpu.SemaphoreType.DMA,
        ],
        compiler_params=pltpu.CompilerParams(needs_layout_passes=False),
    )
    return run(t, gamma)

# --- scband reference (transcript-rebuilt; emitter-appended) ---
"""Pipeline reference for scband-predefined-noise-schedule-3118146257520 (READ-ONLY COPY).

The authoritative reference and input builder live on the scoring server;
editing this copy changes nothing except your own understanding.
"""

import jax, jax.numpy as jnp
import numpy as np

TIMESTEPS = 1000

def cosine_beta_schedule(timesteps, s=0.008, raise_to_power=1):
    steps = timesteps + 2
    x = np.linspace(0, steps, steps)
    alphas_cumprod = np.cos((x / steps + s) / (1 + s) * np.pi * 0.5) ** 2
    alphas_cumprod = alphas_cumprod / alphas_cumprod[0]
    betas = 1 - alphas_cumprod[1:] / alphas_cumprod[:-1]
    betas = np.clip(betas, a_min=0, a_max=0.999)
    alphas = 1.0 - betas
    alphas_cumprod = np.cumprod(alphas, axis=0)
    if raise_to_power != 1:
        alphas_cumprod = np.power(alphas_cumprod, raise_to_power)
    return alphas_cumprod

def setup_inputs(seed: int = 0) -> dict:
    key = jax.random.key(seed)
    t = jax.random.uniform(key, (16384,), dtype=jnp.float32)
    alphas2 = cosine_beta_schedule(TIMESTEPS)
    sigmas2 = 1.0 - alphas2
    log_alphas2 = np.log(alphas2)
    log_sigmas2 = np.log(sigmas2)
    gamma = -(log_alphas2 - log_sigmas2)
    return {"t": t, "gamma": jnp.asarray(gamma, dtype=jnp.float32)}

def reference(t, gamma):
    t_int = jnp.round(t * TIMESTEPS).astype(jnp.int32)
    return jnp.take(gamma, t_int, axis=0)

if __name__ == "__main__":
    import jax
    _d = setup_inputs()
    print(jax.jit(kernel)(*tuple(_d.values())))

</pallas_src>

<mosaic_0001>
#map = affine_map<(d0, d1) -> (0)>
module attributes {stable_mosaic.version = 14 : i64} {
  func.func @_body(%arg0: i32, %arg1: i32, %arg2: memref<16384xf32, #tpu.memory_space<hbm>>, %arg3: memref<1001xf32, #tpu.memory_space<hbm>>, %arg4: memref<16384xf32, #tpu.memory_space<hbm>>, %arg5: memref<512xf32, #tpu.memory_space<vmem>>, %arg6: memref<1001xf32, #tpu.memory_space<vmem>>, %arg7: memref<512xf32, #tpu.memory_space<vmem>>, %arg8: memref<!tpu.dma_semaphore, #tpu.memory_space<semaphore_mem>>, %arg9: memref<!tpu.dma_semaphore, #tpu.memory_space<semaphore_mem>>) attributes {dimension_semantics = [#tpu.dimension_semantics<core_parallel>, #tpu.dimension_semantics<subcore_parallel>], iteration_bounds = array<i64: 2, 16>, scalar_prefetch = 0 : i64, scratch_operands = 5 : i64, tpu.core_type = #tpu.core_type<sc_vector_subcore>, window_params = [{transform_indices = #map}, {transform_indices = #map}, {transform_indices = #map}]} {
    %mul3A = arith.constant 2 : i32
    %mul3A_0 = arith.muli %arg1, %mul3A : i32
    %add3A = arith.addi %mul3A_0, %arg0 : i32
    %mul3A_1 = arith.constant 512 : i32
    %mul3A_2 = arith.muli %add3A, %mul3A_1 : i32
    tpu.enqueue_dma source(%arg3 : memref<1001xf32, #tpu.memory_space<hbm>>) target(%arg6 : memref<1001xf32, #tpu.memory_space<vmem>>) target_semaphore(%arg8 : memref<!tpu.dma_semaphore, #tpu.memory_space<semaphore_mem>>)
    %dma_start3A = tpu.memref_slice %arg2[%mul3A_2] : memref<16384xf32, #tpu.memory_space<hbm>> -> memref<512xf32, #tpu.memory_space<hbm>>
    %dma_start3A_3 = tpu.memref_slice %arg2[%mul3A_2] : memref<16384xf32, #tpu.memory_space<hbm>> -> memref<512xf32, #tpu.memory_space<hbm>>
    tpu.enqueue_dma source(%dma_start3A_3 : memref<512xf32, #tpu.memory_space<hbm>>) target(%arg5 : memref<512xf32, #tpu.memory_space<vmem>>) target_semaphore(%arg9 : memref<!tpu.dma_semaphore, #tpu.memory_space<semaphore_mem>>)
    %dma_wait3A = tpu.memref_slice %arg2[%mul3A_2] : memref<16384xf32, #tpu.memory_space<hbm>> -> memref<512xf32, #tpu.memory_space<hbm>>
    %dma_wait3A_4 = tpu.memref_slice %arg2[%mul3A_2] : memref<16384xf32, #tpu.memory_space<hbm>> -> memref<512xf32, #tpu.memory_space<hbm>>
    tpu.wait_dma2 semaphore(%arg9 : memref<!tpu.dma_semaphore, #tpu.memory_space<semaphore_mem>>) src(%dma_wait3A_4 : memref<512xf32, #tpu.memory_space<hbm>>) dst(%arg5 : memref<512xf32, #tpu.memory_space<vmem>>)
    tpu.wait_dma2 semaphore(%arg8 : memref<!tpu.dma_semaphore, #tpu.memory_space<semaphore_mem>>) src(%arg3 : memref<1001xf32, #tpu.memory_space<hbm>>) dst(%arg6 : memref<1001xf32, #tpu.memory_space<vmem>>)
    %get3A = arith.constant 0 : index
    %get3A_5 = tpu.vector_load %arg5[%get3A] {strides = array<i32>} : memref<512xf32, #tpu.memory_space<vmem>>, vector<16xf32>,
    %mul3A_6 = arith.constant 1.000000e+03 : f32
    %mul3A_7 = vector.broadcast %mul3A_6 : f32 to vector<16xf32>
    %mul3A_8 = arith.mulf %get3A_5, %mul3A_7 : vector<16xf32>
    %add3A_9 = arith.constant 0x4B000000 : f32
    %add3A_10 = vector.broadcast %add3A_9 : f32 to vector<16xf32>
    %add3A_11 = arith.addf %mul3A_8, %add3A_10 : vector<16xf32>
    %sub3A = arith.constant 0x4B000000 : f32
    %sub3A_12 = vector.broadcast %sub3A : f32 to vector<16xf32>
    %sub3A_13 = arith.subf %add3A_11, %sub3A_12 : vector<16xf32>
    %convert_element_type3A = arith.fptosi %sub3A_13 : vector<16xf32> to vector<16xi32>
    %gather3A = tpu.vector_load_idx %arg6[%convert_element_type3A] : memref<1001xf32, #tpu.memory_space<vmem>>[vector<16xi32>], vector<16xf32>,
    %swap3A = arith.constant 0 : index
    %swap3A_14 = tpu.vector_load %arg7[%swap3A] {strides = array<i32>} : memref<512xf32, #tpu.memory_space<vmem>>, vector<16xf32>,
    tpu.vector_store %arg7[%swap3A], %gather3A {strides = array<i32>} : memref<512xf32, #tpu.memory_space<vmem>>, vector<16xf32>,
    %get3A_15 = arith.constant 16 : index
    %get3A_16 = tpu.vector_load %arg5[%get3A_15] {strides = array<i32>} : memref<512xf32, #tpu.memory_space<vmem>>, vector<16xf32>,
    %mul3A_17 = arith.constant 1.000000e+03 : f32
    %mul3A_18 = vector.broadcast %mul3A_17 : f32 to vector<16xf32>
    %mul3A_19 = arith.mulf %get3A_16, %mul3A_18 : vector<16xf32>
    %add3A_20 = arith.constant 0x4B000000 : f32
    %add3A_21 = vector.broadcast %add3A_20 : f32 to vector<16xf32>
    %add3A_22 = arith.addf %mul3A_19, %add3A_21 : vector<16xf32>
    %sub3A_23 = arith.constant 0x4B000000 : f32
    %sub3A_24 = vector.broadcast %sub3A_23 : f32 to vector<16xf32>
    %sub3A_25 = arith.subf %add3A_22, %sub3A_24 : vector<16xf32>
    %convert_element_type3A_26 = arith.fptosi %sub3A_25 : vector<16xf32> to vector<16xi32>
    %gather3A_27 = tpu.vector_load_idx %arg6[%convert_element_type3A_26] : memref<1001xf32, #tpu.memory_space<vmem>>[vector<16xi32>], vector<16xf32>,
    %swap3A_28 = arith.constant 16 : index
    %swap3A_29 = tpu.vector_load %arg7[%swap3A_28] {strides = array<i32>} : memref<512xf32, #tpu.memory_space<vmem>>, vector<16xf32>,
    tpu.vector_store %arg7[%swap3A_28], %gather3A_27 {strides = array<i32>} : memref<512xf32, #tpu.memory_space<vmem>>, vector<16xf32>,
    %get3A_30 = arith.constant 32 : index
    %get3A_31 = tpu.vector_load %arg5[%get3A_30] {strides = array<i32>} : memref<512xf32, #tpu.memory_space<vmem>>, vector<16xf32>,
    %mul3A_32 = arith.constant 1.000000e+03 : f32
    %mul3A_33 = vector.broadcast %mul3A_32 : f32 to vector<16xf32>
    %mul3A_34 = arith.mulf %get3A_31, %mul3A_33 : vector<16xf32>
    %add3A_35 = arith.constant 0x4B000000 : f32
    %add3A_36 = vector.broadcast %add3A_35 : f32 to vector<16xf32>
    %add3A_37 = arith.addf %mul3A_34, %add3A_36 : vector<16xf32>
    %sub3A_38 = arith.constant 0x4B000000 : f32
    %sub3A_39 = vector.broadcast %sub3A_38 : f32 to vector<16xf32>
    %sub3A_40 = arith.subf %add3A_37, %sub3A_39 : vector<16xf32>
    %convert_element_type3A_41 = arith.fptosi %sub3A_40 : vector<16xf32> to vector<16xi32>
    %gather3A_42 = tpu.vector_load_idx %arg6[%convert_element_type3A_41] : memref<1001xf32, #tpu.memory_space<vmem>>[vector<16xi32>], vector<16xf32>,
    %swap3A_43 = arith.constant 32 : index
    %swap3A_44 = tpu.vector_load %arg7[%swap3A_43] {strides = array<i32>} : memref<512xf32, #tpu.memory_space<vmem>>, vector<16xf32>,
    tpu.vector_store %arg7[%swap3A_43], %gather3A_42 {strides = array<i32>} : memref<512xf32, #tpu.memory_space<vmem>>, vector<16xf32>,
    %get3A_45 = arith.constant 48 : index
    %get3A_46 = tpu.vector_load %arg5[%get3A_45] {strides = array<i32>} : memref<512xf32, #tpu.memory_space<vmem>>, vector<16xf32>,
    %mul3A_47 = arith.constant 1.000000e+03 : f32
    %mul3A_48 = vector.broadcast %mul3A_47 : f32 to vector<16xf32>
    %mul3A_49 = arith.mulf %get3A_46, %mul3A_48 : vector<16xf32>
    %add3A_50 = arith.constant 0x4B000000 : f32
    %add3A_51 = vector.broadcast %add3A_50 : f32 to vector<16xf32>
    %add3A_52 = arith.addf %mul3A_49, %add3A_51 : vector<16xf32>
    %sub3A_53 = arith.constant 0x4B000000 : f32
    %sub3A_54 = vector.broadcast %sub3A_53 : f32 to vector<16xf32>
    %sub3A_55 = arith.subf %add3A_52, %sub3A_54 : vector<16xf32>
    %convert_element_type3A_56 = arith.fptosi %sub3A_55 : vector<16xf32> to vector<16xi32>
    %gather3A_57 = tpu.vector_load_idx %arg6[%convert_element_type3A_56] : memref<1001xf32, #tpu.memory_space<vmem>>[vector<16xi32>], vector<16xf32>,
    %swap3A_58 = arith.constant 48 : index
    %swap3A_59 = tpu.vector_load %arg7[%swap3A_58] {strides = array<i32>} : memref<512xf32, #tpu.memory_space<vmem>>, vector<16xf32>,
    tpu.vector_store %arg7[%swap3A_58], %gather3A_57 {strides = array<i32>} : memref<512xf32, #tpu.memory_space<vmem>>, vector<16xf32>,
    %get3A_60 = arith.constant 64 : index
    %get3A_61 = tpu.vector_load %arg5[%get3A_60] {strides = array<i32>} : memref<512xf32, #tpu.memory_space<vmem>>, vector<16xf32>,
    %mul3A_62 = arith.constant 1.000000e+03 : f32
    %mul3A_63 = vector.broadcast %mul3A_62 : f32 to vector<16xf32>
    %mul3A_64 = arith.mulf %get3A_61, %mul3A_63 : vector<16xf32>
    %add3A_65 = arith.constant 0x4B000000 : f32
    %add3A_66 = vector.broadcast %add3A_65 : f32 to vector<16xf32>
    %add3A_67 = arith.addf %mul3A_64, %add3A_66 : vector<16xf32>
    %sub3A_68 = arith.constant 0x4B000000 : f32
    %sub3A_69 = vector.broadcast %sub3A_68 : f32 to vector<16xf32>
    %sub3A_70 = arith.subf %add3A_67, %sub3A_69 : vector<16xf32>
    %convert_element_type3A_71 = arith.fptosi %sub3A_70 : vector<16xf32> to vector<16xi32>
    %gather3A_72 = tpu.vector_load_idx %arg6[%convert_element_type3A_71] : memref<1001xf32, #tpu.memory_space<vmem>>[vector<16xi32>], vector<16xf32>,
    %swap3A_73 = arith.constant 64 : index
    %swap3A_74 = tpu.vector_load %arg7[%swap3A_73] {strides = array<i32>} : memref<512xf32, #tpu.memory_space<vmem>>, vector<16xf32>,
    tpu.vector_store %arg7[%swap3A_73], %gather3A_72 {strides = array<i32>} : memref<512xf32, #tpu.memory_space<vmem>>, vector<16xf32>,
    %get3A_75 = arith.constant 80 : index
    %get3A_76 = tpu.vector_load %arg5[%get3A_75] {strides = array<i32>} : memref<512xf32, #tpu.memory_space<vmem>>, vector<16xf32>,
    %mul3A_77 = arith.constant 1.000000e+03 : f32
    %mul3A_78 = vector.broadcast %mul3A_77 : f32 to vector<16xf32>
    %mul3A_79 = arith.mulf %get3A_76, %mul3A_78 : vector<16xf32>
    %add3A_80 = arith.constant 0x4B000000 : f32
    %add3A_81 = vector.broadcast %add3A_80 : f32 to vector<16xf32>
    %add3A_82 = arith.addf %mul3A_79, %add3A_81 : vector<16xf32>
    %sub3A_83 = arith.constant 0x4B000000 : f32
    %sub3A_84 = vector.broadcast %sub3A_83 : f32 to vector<16xf32>
    %sub3A_85 = arith.subf %add3A_82, %sub3A_84 : vector<16xf32>
    %convert_element_type3A_86 = arith.fptosi %sub3A_85 : vector<16xf32> to vector<16xi32>
    %gather3A_87 = tpu.vector_load_idx %arg6[%convert_element_type3A_86] : memref<1001xf32, #tpu.memory_space<vmem>>[vector<16xi32>], vector<16xf32>,
    %swap3A_88 = arith.constant 80 : index
    %swap3A_89 = tpu.vector_load %arg7[%swap3A_88] {strides = array<i32>} : memref<512xf32, #tpu.memory_space<vmem>>, vector<16xf32>,
    tpu.vector_store %arg7[%swap3A_88], %gather3A_87 {strides = array<i32>} : memref<512xf32, #tpu.memory_space<vmem>>, vector<16xf32>,
    %get3A_90 = arith.constant 96 : index
    %get3A_91 = tpu.vector_load %arg5[%get3A_90] {strides = array<i32>} : memref<512xf32, #tpu.memory_space<vmem>>, vector<16xf32>,
    %mul3A_92 = arith.constant 1.000000e+03 : f32
    %mul3A_93 = vector.broadcast %mul3A_92 : f32 to vector<16xf32>
    %mul3A_94 = arith.mulf %get3A_91, %mul3A_93 : vector<16xf32>
    %add3A_95 = arith.constant 0x4B000000 : f32
    %add3A_96 = vector.broadcast %add3A_95 : f32 to vector<16xf32>
    %add3A_97 = arith.addf %mul3A_94, %add3A_96 : vector<16xf32>
    %sub3A_98 = arith.constant 0x4B000000 : f32
    %sub3A_99 = vector.broadcast %sub3A_98 : f32 to vector<16xf32>
    %sub3A_100 = arith.subf %add3A_97, %sub3A_99 : vector<16xf32>
    %convert_element_type3A_101 = arith.fptosi %sub3A_100 : vector<16xf32> to vector<16xi32>
    %gather3A_102 = tpu.vector_load_idx %arg6[%convert_element_type3A_101] : memref<1001xf32, #tpu.memory_space<vmem>>[vector<16xi32>], vector<16xf32>,
    %swap3A_103 = arith.constant 96 : index
    %swap3A_104 = tpu.vector_load %arg7[%swap3A_103] {strides = array<i32>} : memref<512xf32, #tpu.memory_space<vmem>>, vector<16xf32>,
    tpu.vector_store %arg7[%swap3A_103], %gather3A_102 {strides = array<i32>} : memref<512xf32, #tpu.memory_space<vmem>>, vector<16xf32>,
    %get3A_105 = arith.constant 112 : index
    %get3A_106 = tpu.vector_load %arg5[%get3A_105] {strides = array<i32>} : memref<512xf32, #tpu.memory_space<vmem>>, vector<16xf32>,
    %mul3A_107 = arith.constant 1.000000e+03 : f32
    %mul3A_108 = vector.broadcast %mul3A_107 : f32 to vector<16xf32>
    %mul3A_109 = arith.mulf %get3A_106, %mul3A_108 : vector<16xf32>
    %add3A_110 = arith.constant 0x4B000000 : f32
    %add3A_111 = vector.broadcast %add3A_110 : f32 to vector<16xf32>
    %add3A_112 = arith.addf %mul3A_109, %add3A_111 : vector<16xf32>
    %sub3A_113 = arith.constant 0x4B000000 : f32
    %sub3A_114 = vector.broadcast %sub3A_113 : f32 to vector<16xf32>
    %sub3A_115 = arith.subf %add3A_112, %sub3A_114 : vector<16xf32>
    %convert_element_type3A_116 = arith.fptosi %sub3A_115 : vector<16xf32> to vector<16xi32>
    %gather3A_117 = tpu.vector_load_idx %arg6[%convert_element_type3A_116] : memref<1001xf32, #tpu.memory_space<vmem>>[vector<16xi32>], vector<16xf32>,
    %swap3A_118 = arith.constant 112 : index
    %swap3A_119 = tpu.vector_load %arg7[%swap3A_118] {strides = array<i32>} : memref<512xf32, #tpu.memory_space<vmem>>, vector<16xf32>,
    tpu.vector_store %arg7[%swap3A_118], %gather3A_117 {strides = array<i32>} : memref<512xf32, #tpu.memory_space<vmem>>, vector<16xf32>,
    %get3A_120 = arith.constant 128 : index
    %get3A_121 = tpu.vector_load %arg5[%get3A_120] {strides = array<i32>} : memref<512xf32, #tpu.memory_space<vmem>>, vector<16xf32>,
    %mul3A_122 = arith.constant 1.000000e+03 : f32
    %mul3A_123 = vector.broadcast %mul3A_122 : f32 to vector<16xf32>
    %mul3A_124 = arith.mulf %get3A_121, %mul3A_123 : vector<16xf32>
    %add3A_125 = arith.constant 0x4B000000 : f32
    %add3A_126 = vector.broadcast %add3A_125 : f32 to vector<16xf32>
    %add3A_127 = arith.addf %mul3A_124, %add3A_126 : vector<16xf32>
    %sub3A_128 = arith.constant 0x4B000000 : f32
    %sub3A_129 = vector.broadcast %sub3A_128 : f32 to vector<16xf32>
    %sub3A_130 = arith.subf %add3A_127, %sub3A_129 : vector<16xf32>
    %convert_element_type3A_131 = arith.fptosi %sub3A_130 : vector<16xf32> to vector<16xi32>
    %gather3A_132 = tpu.vector_load_idx %arg6[%convert_element_type3A_131] : memref<1001xf32, #tpu.memory_space<vmem>>[vector<16xi32>], vector<16xf32>,
    %swap3A_133 = arith.constant 128 : index
    %swap3A_134 = tpu.vector_load %arg7[%swap3A_133] {strides = array<i32>} : memref<512xf32, #tpu.memory_space<vmem>>, vector<16xf32>,
    tpu.vector_store %arg7[%swap3A_133], %gather3A_132 {strides = array<i32>} : memref<512xf32, #tpu.memory_space<vmem>>, vector<16xf32>,
    %get3A_135 = arith.constant 144 : index
    %get3A_136 = tpu.vector_load %arg5[%get3A_135] {strides = array<i32>} : memref<512xf32, #tpu.memory_space<vmem>>, vector<16xf32>,
    %mul3A_137 = arith.constant 1.000000e+03 : f32
    %mul3A_138 = vector.broadcast %mul3A_137 : f32 to vector<16xf32>
    %mul3A_139 = arith.mulf %get3A_136, %mul3A_138 : vector<16xf32>
    %add3A_140 = arith.constant 0x4B000000 : f32
    %add3A_141 = vector.broadcast %add3A_140 : f32 to vector<16xf32>
    %add3A_142 = arith.addf %mul3A_139, %add3A_141 : vector<16xf32>
    %sub3A_143 = arith.constant 0x4B000000 : f32
    %sub3A_144 = vector.broadcast %sub3A_143 : f32 to vector<16xf32>
    %sub3A_145 = arith.subf %add3A_142, %sub3A_144 : vector<16xf32>
    %convert_element_type3A_146 = arith.fptosi %sub3A_145 : vector<16xf32> to vector<16xi32>
    %gather3A_147 = tpu.vector_load_idx %arg6[%convert_element_type3A_146] : memref<1001xf32, #tpu.memory_space<vmem>>[vector<16xi32>], vector<16xf32>,
    %swap3A_148 = arith.constant 144 : index
    %swap3A_149 = tpu.vector_load %arg7[%swap3A_148] {strides = array<i32>} : memref<512xf32, #tpu.memory_space<vmem>>, vector<16xf32>,
    tpu.vector_store %arg7[%swap3A_148], %gather3A_147 {strides = array<i32>} : memref<512xf32, #tpu.memory_space<vmem>>, vector<16xf32>,
    %get3A_150 = arith.constant 160 : index
    %get3A_151 = tpu.vector_load %arg5[%get3A_150] {strides = array<i32>} : memref<512xf32, #tpu.memory_space<vmem>>, vector<16xf32>,
    %mul3A_152 = arith.constant 1.000000e+03 : f32
    %mul3A_153 = vector.broadcast %mul3A_152 : f32 to vector<16xf32>
    %mul3A_154 = arith.mulf %get3A_151, %mul3A_153 : vector<16xf32>
    %add3A_155 = arith.constant 0x4B000000 : f32
    %add3A_156 = vector.broadcast %add3A_155 : f32 to vector<16xf32>
    %add3A_157 = arith.addf %mul3A_154, %add3A_156 : vector<16xf32>
    %sub3A_158 = arith.constant 0x4B000000 : f32
    %sub3A_159 = vector.broadcast %sub3A_158 : f32 to vector<16xf32>
    %sub3A_160 = arith.subf %add3A_157, %sub3A_159 : vector<16xf32>
    %convert_element_type3A_161 = arith.fptosi %sub3A_160 : vector<16xf32> to vector<16xi32>
    %gather3A_162 = tpu.vector_load_idx %arg6[%convert_element_type3A_161] : memref<1001xf32, #tpu.memory_space<vmem>>[vector<16xi32>], vector<16xf32>,
    %swap3A_163 = arith.constant 160 : index
    %swap3A_164 = tpu.vector_load %arg7[%swap3A_163] {strides = array<i32>} : memref<512xf32, #tpu.memory_space<vmem>>, vector<16xf32>,
    tpu.vector_store %arg7[%swap3A_163], %gather3A_162 {strides = array<i32>} : memref<512xf32, #tpu.memory_space<vmem>>, vector<16xf32>,
    %get3A_165 = arith.constant 176 : index
    %get3A_166 = tpu.vector_load %arg5[%get3A_165] {strides = array<i32>} : memref<512xf32, #tpu.memory_space<vmem>>, vector<16xf32>,
    %mul3A_167 = arith.constant 1.000000e+03 : f32
    %mul3A_168 = vector.broadcast %mul3A_167 : f32 to vector<16xf32>
    %mul3A_169 = arith.mulf %get3A_166, %mul3A_168 : vector<16xf32>
    %add3A_170 = arith.constant 0x4B000000 : f32
    %add3A_171 = vector.broadcast %add3A_170 : f32 to vector<16xf32>
    %add3A_172 = arith.addf %mul3A_169, %add3A_171 : vector<16xf32>
    %sub3A_173 = arith.constant 0x4B000000 : f32
    %sub3A_174 = vector.broadcast %sub3A_173 : f32 to vector<16xf32>
    %sub3A_175 = arith.subf %add3A_172, %sub3A_174 : vector<16xf32>
    %convert_element_type3A_176 = arith.fptosi %sub3A_175 : vector<16xf32> to vector<16xi32>
    %gather3A_177 = tpu.vector_load_idx %arg6[%convert_element_type3A_176] : memref<1001xf32, #tpu.memory_space<vmem>>[vector<16xi32>], vector<16xf32>,
    %swap3A_178 = arith.constant 176 : index
    %swap3A_179 = tpu.vector_load %arg7[%swap3A_178] {strides = array<i32>} : memref<512xf32, #tpu.memory_space<vmem>>, vector<16xf32>,
    tpu.vector_store %arg7[%swap3A_178], %gather3A_177 {strides = array<i32>} : memref<512xf32, #tpu.memory_space<vmem>>, vector<16xf32>,
    %get3A_180 = arith.constant 192 : index
    %get3A_181 = tpu.vector_load %arg5[%get3A_180] {strides = array<i32>} : memref<512xf32, #tpu.memory_space<vmem>>, vector<16xf32>,
    %mul3A_182 = arith.constant 1.000000e+03 : f32
    %mul3A_183 = vector.broadcast %mul3A_182 : f32 to vector<16xf32>
    %mul3A_184 = arith.mulf %get3A_181, %mul3A_183 : vector<16xf32>
    %add3A_185 = arith.constant 0x4B000000 : f32
    %add3A_186 = vector.broadcast %add3A_185 : f32 to vector<16xf32>
    %add3A_187 = arith.addf %mul3A_184, %add3A_186 : vector<16xf32>
    %sub3A_188 = arith.constant 0x4B000000 : f32
    %sub3A_189 = vector.broadcast %sub3A_188 : f32 to vector<16xf32>
    %sub3A_190 = arith.subf %add3A_187, %sub3A_189 : vector<16xf32>
    %convert_element_type3A_191 = arith.fptosi %sub3A_190 : vector<16xf32> to vector<16xi32>
    %gather3A_192 = tpu.vector_load_idx %arg6[%convert_element_type3A_191] : memref<1001xf32, #tpu.memory_space<vmem>>[vector<16xi32>], vector<16xf32>,
    %swap3A_193 = arith.constant 192 : index
    %swap3A_194 = tpu.vector_load %arg7[%swap3A_193] {strides = array<i32>} : memref<512xf32, #tpu.memory_space<vmem>>, vector<16xf32>,
    tpu.vector_store %arg7[%swap3A_193], %gather3A_192 {strides = array<i32>} : memref<512xf32, #tpu.memory_space<vmem>>, vector<16xf32>,
    %get3A_195 = arith.constant 208 : index
    %get3A_196 = tpu.vector_load %arg5[%get3A_195] {strides = array<i32>} : memref<512xf32, #tpu.memory_space<vmem>>, vector<16xf32>,
    %mul3A_197 = arith.constant 1.000000e+03 : f32
    %mul3A_198 = vector.broadcast %mul3A_197 : f32 to vector<16xf32>
    %mul3A_199 = arith.mulf %get3A_196, %mul3A_198 : vector<16xf32>
    %add3A_200 = arith.constant 0x4B000000 : f32
    %add3A_201 = vector.broadcast %add3A_200 : f32 to vector<16xf32>
    %add3A_202 = arith.addf %mul3A_199, %add3A_201 : vector<16xf32>
    %sub3A_203 = arith.constant 0x4B000000 : f32
    %sub3A_204 = vector.broadcast %sub3A_203 : f32 to vector<16xf32>
    %sub3A_205 = arith.subf %add3A_202, %sub3A_204 : vector<16xf32>
    %convert_element_type3A_206 = arith.fptosi %sub3A_205 : vector<16xf32> to vector<16xi32>
    %gather3A_207 = tpu.vector_load_idx %arg6[%convert_element_type3A_206] : memref<1001xf32, #tpu.memory_space<vmem>>[vector<16xi32>], vector<16xf32>,
    %swap3A_208 = arith.constant 208 : index
    %swap3A_209 = tpu.vector_load %arg7[%swap3A_208] {strides = array<i32>} : memref<512xf32, #tpu.memory_space<vmem>>, vector<16xf32>,
    tpu.vector_store %arg7[%swap3A_208], %gather3A_207 {strides = array<i32>} : memref<512xf32, #tpu.memory_space<vmem>>, vector<16xf32>,
    %get3A_210 = arith.constant 224 : index
    %get3A_211 = tpu.vector_load %arg5[%get3A_210] {strides = array<i32>} : memref<512xf32, #tpu.memory_space<vmem>>, vector<16xf32>,
    %mul3A_212 = arith.constant 1.000000e+03 : f32
    %mul3A_213 = vector.broadcast %mul3A_212 : f32 to vector<16xf32>
    %mul3A_214 = arith.mulf %get3A_211, %mul3A_213 : vector<16xf32>
    %add3A_215 = arith.constant 0x4B000000 : f32
    %add3A_216 = vector.broadcast %add3A_215 : f32 to vector<16xf32>
    %add3A_217 = arith.addf %mul3A_214, %add3A_216 : vector<16xf32>
    %sub3A_218 = arith.constant 0x4B000000 : f32
    %sub3A_219 = vector.broadcast %sub3A_218 : f32 to vector<16xf32>
    %sub3A_220 = arith.subf %add3A_217, %sub3A_219 : vector<16xf32>
    %convert_element_type3A_221 = arith.fptosi %sub3A_220 : vector<16xf32> to vector<16xi32>
    %gather3A_222 = tpu.vector_load_idx %arg6[%convert_element_type3A_221] : memref<1001xf32, #tpu.memory_space<vmem>>[vector<16xi32>], vector<16xf32>,
    %swap3A_223 = arith.constant 224 : index
    %swap3A_224 = tpu.vector_load %arg7[%swap3A_223] {strides = array<i32>} : memref<512xf32, #tpu.memory_space<vmem>>, vector<16xf32>,
    tpu.vector_store %arg7[%swap3A_223], %gather3A_222 {strides = array<i32>} : memref<512xf32, #tpu.memory_space<vmem>>, vector<16xf32>,
    %get3A_225 = arith.constant 240 : index
    %get3A_226 = tpu.vector_load %arg5[%get3A_225] {strides = array<i32>} : memref<512xf32, #tpu.memory_space<vmem>>, vector<16xf32>,
    %mul3A_227 = arith.constant 1.000000e+03 : f32
    %mul3A_228 = vector.broadcast %mul3A_227 : f32 to vector<16xf32>
    %mul3A_229 = arith.mulf %get3A_226, %mul3A_228 : vector<16xf32>
    %add3A_230 = arith.constant 0x4B000000 : f32
    %add3A_231 = vector.broadcast %add3A_230 : f32 to vector<16xf32>
    %add3A_232 = arith.addf %mul3A_229, %add3A_231 : vector<16xf32>
    %sub3A_233 = arith.constant 0x4B000000 : f32
    %sub3A_234 = vector.broadcast %sub3A_233 : f32 to vector<16xf32>
    %sub3A_235 = arith.subf %add3A_232, %sub3A_234 : vector<16xf32>
    %convert_element_type3A_236 = arith.fptosi %sub3A_235 : vector<16xf32> to vector<16xi32>
    %gather3A_237 = tpu.vector_load_idx %arg6[%convert_element_type3A_236] : memref<1001xf32, #tpu.memory_space<vmem>>[vector<16xi32>], vector<16xf32>,
    %swap3A_238 = arith.constant 240 : index
    %swap3A_239 = tpu.vector_load %arg7[%swap3A_238] {strides = array<i32>} : memref<512xf32, #tpu.memory_space<vmem>>, vector<16xf32>,
    tpu.vector_store %arg7[%swap3A_238], %gather3A_237 {strides = array<i32>} : memref<512xf32, #tpu.memory_space<vmem>>, vector<16xf32>,
    %get3A_240 = arith.constant 256 : index
    %get3A_241 = tpu.vector_load %arg5[%get3A_240] {strides = array<i32>} : memref<512xf32, #tpu.memory_space<vmem>>, vector<16xf32>,
    %mul3A_242 = arith.constant 1.000000e+03 : f32
    %mul3A_243 = vector.broadcast %mul3A_242 : f32 to vector<16xf32>
    %mul3A_244 = arith.mulf %get3A_241, %mul3A_243 : vector<16xf32>
    %add3A_245 = arith.constant 0x4B000000 : f32
    %add3A_246 = vector.broadcast %add3A_245 : f32 to vector<16xf32>
    %add3A_247 = arith.addf %mul3A_244, %add3A_246 : vector<16xf32>
    %sub3A_248 = arith.constant 0x4B000000 : f32
    %sub3A_249 = vector.broadcast %sub3A_248 : f32 to vector<16xf32>
    %sub3A_250 = arith.subf %add3A_247, %sub3A_249 : vector<16xf32>
    %convert_element_type3A_251 = arith.fptosi %sub3A_250 : vector<16xf32> to vector<16xi32>
    %gather3A_252 = tpu.vector_load_idx %arg6[%convert_element_type3A_251] : memref<1001xf32, #tpu.memory_space<vmem>>[vector<16xi32>], vector<16xf32>,
    %swap3A_253 = arith.constant 256 : index
    %swap3A_254 = tpu.vector_load %arg7[%swap3A_253] {strides = array<i32>} : memref<512xf32, #tpu.memory_space<vmem>>, vector<16xf32>,
    tpu.vector_store %arg7[%swap3A_253], %gather3A_252 {strides = array<i32>} : memref<512xf32, #tpu.memory_space<vmem>>, vector<16xf32>,
    %get3A_255 = arith.constant 272 : index
    %get3A_256 = tpu.vector_load %arg5[%get3A_255] {strides = array<i32>} : memref<512xf32, #tpu.memory_space<vmem>>, vector<16xf32>,
    %mul3A_257 = arith.constant 1.000000e+03 : f32
    %mul3A_258 = vector.broadcast %mul3A_257 : f32 to vector<16xf32>
    %mul3A_259 = arith.mulf %get3A_256, %mul3A_258 : vector<16xf32>
    %add3A_260 = arith.constant 0x4B000000 : f32
    %add3A_261 = vector.broadcast %add3A_260 : f32 to vector<16xf32>
    %add3A_262 = arith.addf %mul3A_259, %add3A_261 : vector<16xf32>
    %sub3A_263 = arith.constant 0x4B000000 : f32
    %sub3A_264 = vector.broadcast %sub3A_263 : f32 to vector<16xf32>
    %sub3A_265 = arith.subf %add3A_262, %sub3A_264 : vector<16xf32>
    %convert_element_type3A_266 = arith.fptosi %sub3A_265 : vector<16xf32> to vector<16xi32>
    %gather3A_267 = tpu.vector_load_idx %arg6[%convert_element_type3A_266] : memref<1001xf32, #tpu.memory_space<vmem>>[vector<16xi32>], vector<16xf32>,
    %swap3A_268 = arith.constant 272 : index
    %swap3A_269 = tpu.vector_load %arg7[%swap3A_268] {strides = array<i32>} : memref<512xf32, #tpu.memory_space<vmem>>, vector<16xf32>,
    tpu.vector_store %arg7[%swap3A_268], %gather3A_267 {strides = array<i32>} : memref<512xf32, #tpu.memory_space<vmem>>, vector<16xf32>,
    %get3A_270 = arith.constant 288 : index
    %get3A_271 = tpu.vector_load %arg5[%get3A_270] {strides = array<i32>} : memref<512xf32, #tpu.memory_space<vmem>>, vector<16xf32>,
    %mul3A_272 = arith.constant 1.000000e+03 : f32
    %mul3A_273 = vector.broadcast %mul3A_272 : f32 to vector<16xf32>
    %mul3A_274 = arith.mulf %get3A_271, %mul3A_273 : vector<16xf32>
    %add3A_275 = arith.constant 0x4B000000 : f32
    %add3A_276 = vector.broadcast %add3A_275 : f32 to vector<16xf32>
    %add3A_277 = arith.addf %mul3A_274, %add3A_276 : vector<16xf32>
    %sub3A_278 = arith.constant 0x4B000000 : f32
    %sub3A_279 = vector.broadcast %sub3A_278 : f32 to vector<16xf32>
    %sub3A_280 = arith.subf %add3A_277, %sub3A_279 : vector<16xf32>
    %convert_element_type3A_281 = arith.fptosi %sub3A_280 : vector<16xf32> to vector<16xi32>
    %gather3A_282 = tpu.vector_load_idx %arg6[%convert_element_type3A_281] : memref<1001xf32, #tpu.memory_space<vmem>>[vector<16xi32>], vector<16xf32>,
    %swap3A_283 = arith.constant 288 : index
    %swap3A_284 = tpu.vector_load %arg7[%swap3A_283] {strides = array<i32>} : memref<512xf32, #tpu.memory_space<vmem>>, vector<16xf32>,
    tpu.vector_store %arg7[%swap3A_283], %gather3A_282 {strides = array<i32>} : memref<512xf32, #tpu.memory_space<vmem>>, vector<16xf32>,
    %get3A_285 = arith.constant 304 : index
    %get3A_286 = tpu.vector_load %arg5[%get3A_285] {strides = array<i32>} : memref<512xf32, #tpu.memory_space<vmem>>, vector<16xf32>,
    %mul3A_287 = arith.constant 1.000000e+03 : f32
    %mul3A_288 = vector.broadcast %mul3A_287 : f32 to vector<16xf32>
    %mul3A_289 = arith.mulf %get3A_286, %mul3A_288 : vector<16xf32>
    %add3A_290 = arith.constant 0x4B000000 : f32
    %add3A_291 = vector.broadcast %add3A_290 : f32 to vector<16xf32>
    %add3A_292 = arith.addf %mul3A_289, %add3A_291 : vector<16xf32>
    %sub3A_293 = arith.constant 0x4B000000 : f32
    %sub3A_294 = vector.broadcast %sub3A_293 : f32 to vector<16xf32>
    %sub3A_295 = arith.subf %add3A_292, %sub3A_294 : vector<16xf32>
    %convert_element_type3A_296 = arith.fptosi %sub3A_295 : vector<16xf32> to vector<16xi32>
    %gather3A_297 = tpu.vector_load_idx %arg6[%convert_element_type3A_296] : memref<1001xf32, #tpu.memory_space<vmem>>[vector<16xi32>], vector<16xf32>,
    %swap3A_298 = arith.constant 304 : index
    %swap3A_299 = tpu.vector_load %arg7[%swap3A_298] {strides = array<i32>} : memref<512xf32, #tpu.memory_space<vmem>>, vector<16xf32>,
    tpu.vector_store %arg7[%swap3A_298], %gather3A_297 {strides = array<i32>} : memref<512xf32, #tpu.memory_space<vmem>>, vector<16xf32>,
    %get3A_300 = arith.constant 320 : index
    %get3A_301 = tpu.vector_load %arg5[%get3A_300] {strides = array<i32>} : memref<512xf32, #tpu.memory_space<vmem>>, vector<16xf32>,
    %mul3A_302 = arith.constant 1.000000e+03 : f32
    %mul3A_303 = vector.broadcast %mul3A_302 : f32 to vector<16xf32>
    %mul3A_304 = arith.mulf %get3A_301, %mul3A_303 : vector<16xf32>
    %add3A_305 = arith.constant 0x4B000000 : f32
    %add3A_306 = vector.broadcast %add3A_305 : f32 to vector<16xf32>
    %add3A_307 = arith.addf %mul3A_304, %add3A_306 : vector<16xf32>
    %sub3A_308 = arith.constant 0x4B000000 : f32
    %sub3A_309 = vector.broadcast %sub3A_308 : f32 to vector<16xf32>
    %sub3A_310 = arith.subf %add3A_307, %sub3A_309 : vector<16xf32>
    %convert_element_type3A_311 = arith.fptosi %sub3A_310 : vector<16xf32> to vector<16xi32>
    %gather3A_312 = tpu.vector_load_idx %arg6[%convert_element_type3A_311] : memref<1001xf32, #tpu.memory_space<vmem>>[vector<16xi32>], vector<16xf32>,
    %swap3A_313 = arith.constant 320 : index
    %swap3A_314 = tpu.vector_load %arg7[%swap3A_313] {strides = array<i32>} : memref<512xf32, #tpu.memory_space<vmem>>, vector<16xf32>,
    tpu.vector_store %arg7[%swap3A_313], %gather3A_312 {strides = array<i32>} : memref<512xf32, #tpu.memory_space<vmem>>, vector<16xf32>,
    %get3A_315 = arith.constant 336 : index
    %get3A_316 = tpu.vector_load %arg5[%get3A_315] {strides = array<i32>} : memref<512xf32, #tpu.memory_space<vmem>>, vector<16xf32>,
    %mul3A_317 = arith.constant 1.000000e+03 : f32
    %mul3A_318 = vector.broadcast %mul3A_317 : f32 to vector<16xf32>
    %mul3A_319 = arith.mulf %get3A_316, %mul3A_318 : vector<16xf32>
    %add3A_320 = arith.constant 0x4B000000 : f32
    %add3A_321 = vector.broadcast %add3A_320 : f32 to vector<16xf32>
    %add3A_322 = arith.addf %mul3A_319, %add3A_321 : vector<16xf32>
    %sub3A_323 = arith.constant 0x4B000000 : f32
    %sub3A_324 = vector.broadcast %sub3A_323 : f32 to vector<16xf32>
    %sub3A_325 = arith.subf %add3A_322, %sub3A_324 : vector<16xf32>
    %convert_element_type3A_326 = arith.fptosi %sub3A_325 : vector<16xf32> to vector<16xi32>
    %gather3A_327 = tpu.vector_load_idx %arg6[%convert_element_type3A_326] : memref<1001xf32, #tpu.memory_space<vmem>>[vector<16xi32>], vector<16xf32>,
    %swap3A_328 = arith.constant 336 : index
    %swap3A_329 = tpu.vector_load %arg7[%swap3A_328] {strides = array<i32>} : memref<512xf32, #tpu.memory_space<vmem>>, vector<16xf32>,
    tpu.vector_store %arg7[%swap3A_328], %gather3A_327 {strides = array<i32>} : memref<512xf32, #tpu.memory_space<vmem>>, vector<16xf32>,
    %get3A_330 = arith.constant 352 : index
    %get3A_331 = tpu.vector_load %arg5[%get3A_330] {strides = array<i32>} : memref<512xf32, #tpu.memory_space<vmem>>, vector<16xf32>,
    %mul3A_332 = arith.constant 1.000000e+03 : f32
    %mul3A_333 = vector.broadcast %mul3A_332 : f32 to vector<16xf32>
    %mul3A_334 = arith.mulf %get3A_331, %mul3A_333 : vector<16xf32>
    %add3A_335 = arith.constant 0x4B000000 : f32
    %add3A_336 = vector.broadcast %add3A_335 : f32 to vector<16xf32>
    %add3A_337 = arith.addf %mul3A_334, %add3A_336 : vector<16xf32>
    %sub3A_338 = arith.constant 0x4B000000 : f32
    %sub3A_339 = vector.broadcast %sub3A_338 : f32 to vector<16xf32>
    %sub3A_340 = arith.subf %add3A_337, %sub3A_339 : vector<16xf32>
    %convert_element_type3A_341 = arith.fptosi %sub3A_340 : vector<16xf32> to vector<16xi32>
    %gather3A_342 = tpu.vector_load_idx %arg6[%convert_element_type3A_341] : memref<1001xf32, #tpu.memory_space<vmem>>[vector<16xi32>], vector<16xf32>,
    %swap3A_343 = arith.constant 352 : index
    %swap3A_344 = tpu.vector_load %arg7[%swap3A_343] {strides = array<i32>} : memref<512xf32, #tpu.memory_space<vmem>>, vector<16xf32>,
    tpu.vector_store %arg7[%swap3A_343], %gather3A_342 {strides = array<i32>} : memref<512xf32, #tpu.memory_space<vmem>>, vector<16xf32>,
    %get3A_345 = arith.constant 368 : index
    %get3A_346 = tpu.vector_load %arg5[%get3A_345] {strides = array<i32>} : memref<512xf32, #tpu.memory_space<vmem>>, vector<16xf32>,
    %mul3A_347 = arith.constant 1.000000e+03 : f32
    %mul3A_348 = vector.broadcast %mul3A_347 : f32 to vector<16xf32>
    %mul3A_349 = arith.mulf %get3A_346, %mul3A_348 : vector<16xf32>
    %add3A_350 = arith.constant 0x4B000000 : f32
    %add3A_351 = vector.broadcast %add3A_350 : f32 to vector<16xf32>
    %add3A_352 = arith.addf %mul3A_349, %add3A_351 : vector<16xf32>
    %sub3A_353 = arith.constant 0x4B000000 : f32
    %sub3A_354 = vector.broadcast %sub3A_353 : f32 to vector<16xf32>
    %sub3A_355 = arith.subf %add3A_352, %sub3A_354 : vector<16xf32>
    %convert_element_type3A_356 = arith.fptosi %sub3A_355 : vector<16xf32> to vector<16xi32>
    %gather3A_357 = tpu.vector_load_idx %arg6[%convert_element_type3A_356] : memref<1001xf32, #tpu.memory_space<vmem>>[vector<16xi32>], vector<16xf32>,
    %swap3A_358 = arith.constant 368 : index
    %swap3A_359 = tpu.vector_load %arg7[%swap3A_358] {strides = array<i32>} : memref<512xf32, #tpu.memory_space<vmem>>, vector<16xf32>,
    tpu.vector_store %arg7[%swap3A_358], %gather3A_357 {strides = array<i32>} : memref<512xf32, #tpu.memory_space<vmem>>, vector<16xf32>,
    %get3A_360 = arith.constant 384 : index
    %get3A_361 = tpu.vector_load %arg5[%get3A_360] {strides = array<i32>} : memref<512xf32, #tpu.memory_space<vmem>>, vector<16xf32>,
    %mul3A_362 = arith.constant 1.000000e+03 : f32
    %mul3A_363 = vector.broadcast %mul3A_362 : f32 to vector<16xf32>
    %mul3A_364 = arith.mulf %get3A_361, %mul3A_363 : vector<16xf32>
    %add3A_365 = arith.constant 0x4B000000 : f32
    %add3A_366 = vector.broadcast %add3A_365 : f32 to vector<16xf32>
    %add3A_367 = arith.addf %mul3A_364, %add3A_366 : vector<16xf32>
    %sub3A_368 = arith.constant 0x4B000000 : f32
    %sub3A_369 = vector.broadcast %sub3A_368 : f32 to vector<16xf32>
    %sub3A_370 = arith.subf %add3A_367, %sub3A_369 : vector<16xf32>
    %convert_element_type3A_371 = arith.fptosi %sub3A_370 : vector<16xf32> to vector<16xi32>
    %gather3A_372 = tpu.vector_load_idx %arg6[%convert_element_type3A_371] : memref<1001xf32, #tpu.memory_space<vmem>>[vector<16xi32>], vector<16xf32>,
    %swap3A_373 = arith.constant 384 : index
    %swap3A_374 = tpu.vector_load %arg7[%swap3A_373] {strides = array<i32>} : memref<512xf32, #tpu.memory_space<vmem>>, vector<16xf32>,
    tpu.vector_store %arg7[%swap3A_373], %gather3A_372 {strides = array<i32>} : memref<512xf32, #tpu.memory_space<vmem>>, vector<16xf32>,
    %get3A_375 = arith.constant 400 : index
    %get3A_376 = tpu.vector_load %arg5[%get3A_375] {strides = array<i32>} : memref<512xf32, #tpu.memory_space<vmem>>, vector<16xf32>,
    %mul3A_377 = arith.constant 1.000000e+03 : f32
    %mul3A_378 = vector.broadcast %mul3A_377 : f32 to vector<16xf32>
    %mul3A_379 = arith.mulf %get3A_376, %mul3A_378 : vector<16xf32>
    %add3A_380 = arith.constant 0x4B000000 : f32
    %add3A_381 = vector.broadcast %add3A_380 : f32 to vector<16xf32>
    %add3A_382 = arith.addf %mul3A_379, %add3A_381 : vector<16xf32>
    %sub3A_383 = arith.constant 0x4B000000 : f32
    %sub3A_384 = vector.broadcast %sub3A_383 : f32 to vector<16xf32>
    %sub3A_385 = arith.subf %add3A_382, %sub3A_384 : vector<16xf32>
    %convert_element_type3A_386 = arith.fptosi %sub3A_385 : vector<16xf32> to vector<16xi32>
    %gather3A_387 = tpu.vector_load_idx %arg6[%convert_element_type3A_386] : memref<1001xf32, #tpu.memory_space<vmem>>[vector<16xi32>], vector<16xf32>,
    %swap3A_388 = arith.constant 400 : index
    %swap3A_389 = tpu.vector_load %arg7[%swap3A_388] {strides = array<i32>} : memref<512xf32, #tpu.memory_space<vmem>>, vector<16xf32>,
    tpu.vector_store %arg7[%swap3A_388], %gather3A_387 {strides = array<i32>} : memref<512xf32, #tpu.memory_space<vmem>>, vector<16xf32>,
    %get3A_390 = arith.constant 416 : index
    %get3A_391 = tpu.vector_load %arg5[%get3A_390] {strides = array<i32>} : memref<512xf32, #tpu.memory_space<vmem>>, vector<16xf32>,
    %mul3A_392 = arith.constant 1.000000e+03 : f32
    %mul3A_393 = vector.broadcast %mul3A_392 : f32 to vector<16xf32>
    %mul3A_394 = arith.mulf %get3A_391, %mul3A_393 : vector<16xf32>
    %add3A_395 = arith.constant 0x4B000000 : f32
    %add3A_396 = vector.broadcast %add3A_395 : f32 to vector<16xf32>
    %add3A_397 = arith.addf %mul3A_394, %add3A_396 : vector<16xf32>
    %sub3A_398 = arith.constant 0x4B000000 : f32
    %sub3A_399 = vector.broadcast %sub3A_398 : f32 to vector<16xf32>
    %sub3A_400 = arith.subf %add3A_397, %sub3A_399 : vector<16xf32>
    %convert_element_type3A_401 = arith.fptosi %sub3A_400 : vector<16xf32> to vector<16xi32>
    %gather3A_402 = tpu.vector_load_idx %arg6[%convert_element_type3A_401] : memref<1001xf32, #tpu.memory_space<vmem>>[vector<16xi32>], vector<16xf32>,
    %swap3A_403 = arith.constant 416 : index
    %swap3A_404 = tpu.vector_load %arg7[%swap3A_403] {strides = array<i32>} : memref<512xf32, #tpu.memory_space<vmem>>, vector<16xf32>,
    tpu.vector_store %arg7[%swap3A_403], %gather3A_402 {strides = array<i32>} : memref<512xf32, #tpu.memory_space<vmem>>, vector<16xf32>,
    %get3A_405 = arith.constant 432 : index
    %get3A_406 = tpu.vector_load %arg5[%get3A_405] {strides = array<i32>} : memref<512xf32, #tpu.memory_space<vmem>>, vector<16xf32>,
    %mul3A_407 = arith.constant 1.000000e+03 : f32
    %mul3A_408 = vector.broadcast %mul3A_407 : f32 to vector<16xf32>
    %mul3A_409 = arith.mulf %get3A_406, %mul3A_408 : vector<16xf32>
    %add3A_410 = arith.constant 0x4B000000 : f32
    %add3A_411 = vector.broadcast %add3A_410 : f32 to vector<16xf32>
    %add3A_412 = arith.addf %mul3A_409, %add3A_411 : vector<16xf32>
    %sub3A_413 = arith.constant 0x4B000000 : f32
    %sub3A_414 = vector.broadcast %sub3A_413 : f32 to vector<16xf32>
    %sub3A_415 = arith.subf %add3A_412, %sub3A_414 : vector<16xf32>
    %convert_element_type3A_416 = arith.fptosi %sub3A_415 : vector<16xf32> to vector<16xi32>
    %gather3A_417 = tpu.vector_load_idx %arg6[%convert_element_type3A_416] : memref<1001xf32, #tpu.memory_space<vmem>>[vector<16xi32>], vector<16xf32>,
    %swap3A_418 = arith.constant 432 : index
    %swap3A_419 = tpu.vector_load %arg7[%swap3A_418] {strides = array<i32>} : memref<512xf32, #tpu.memory_space<vmem>>, vector<16xf32>,
    tpu.vector_store %arg7[%swap3A_418], %gather3A_417 {strides = array<i32>} : memref<512xf32, #tpu.memory_space<vmem>>, vector<16xf32>,
    %get3A_420 = arith.constant 448 : index
    %get3A_421 = tpu.vector_load %arg5[%get3A_420] {strides = array<i32>} : memref<512xf32, #tpu.memory_space<vmem>>, vector<16xf32>,
    %mul3A_422 = arith.constant 1.000000e+03 : f32
    %mul3A_423 = vector.broadcast %mul3A_422 : f32 to vector<16xf32>
    %mul3A_424 = arith.mulf %get3A_421, %mul3A_423 : vector<16xf32>
    %add3A_425 = arith.constant 0x4B000000 : f32
    %add3A_426 = vector.broadcast %add3A_425 : f32 to vector<16xf32>
    %add3A_427 = arith.addf %mul3A_424, %add3A_426 : vector<16xf32>
    %sub3A_428 = arith.constant 0x4B000000 : f32
    %sub3A_429 = vector.broadcast %sub3A_428 : f32 to vector<16xf32>
    %sub3A_430 = arith.subf %add3A_427, %sub3A_429 : vector<16xf32>
    %convert_element_type3A_431 = arith.fptosi %sub3A_430 : vector<16xf32> to vector<16xi32>
    %gather3A_432 = tpu.vector_load_idx %arg6[%convert_element_type3A_431] : memref<1001xf32, #tpu.memory_space<vmem>>[vector<16xi32>], vector<16xf32>,
    %swap3A_433 = arith.constant 448 : index
    %swap3A_434 = tpu.vector_load %arg7[%swap3A_433] {strides = array<i32>} : memref<512xf32, #tpu.memory_space<vmem>>, vector<16xf32>,
    tpu.vector_store %arg7[%swap3A_433], %gather3A_432 {strides = array<i32>} : memref<512xf32, #tpu.memory_space<vmem>>, vector<16xf32>,
    %get3A_435 = arith.constant 464 : index
    %get3A_436 = tpu.vector_load %arg5[%get3A_435] {strides = array<i32>} : memref<512xf32, #tpu.memory_space<vmem>>, vector<16xf32>,
    %mul3A_437 = arith.constant 1.000000e+03 : f32
    %mul3A_438 = vector.broadcast %mul3A_437 : f32 to vector<16xf32>
    %mul3A_439 = arith.mulf %get3A_436, %mul3A_438 : vector<16xf32>
    %add3A_440 = arith.constant 0x4B000000 : f32
    %add3A_441 = vector.broadcast %add3A_440 : f32 to vector<16xf32>
    %add3A_442 = arith.addf %mul3A_439, %add3A_441 : vector<16xf32>
    %sub3A_443 = arith.constant 0x4B000000 : f32
    %sub3A_444 = vector.broadcast %sub3A_443 : f32 to vector<16xf32>
    %sub3A_445 = arith.subf %add3A_442, %sub3A_444 : vector<16xf32>
    %convert_element_type3A_446 = arith.fptosi %sub3A_445 : vector<16xf32> to vector<16xi32>
    %gather3A_447 = tpu.vector_load_idx %arg6[%convert_element_type3A_446] : memref<1001xf32, #tpu.memory_space<vmem>>[vector<16xi32>], vector<16xf32>,
    %swap3A_448 = arith.constant 464 : index
    %swap3A_449 = tpu.vector_load %arg7[%swap3A_448] {strides = array<i32>} : memref<512xf32, #tpu.memory_space<vmem>>, vector<16xf32>,
    tpu.vector_store %arg7[%swap3A_448], %gather3A_447 {strides = array<i32>} : memref<512xf32, #tpu.memory_space<vmem>>, vector<16xf32>,
    %get3A_450 = arith.constant 480 : index
    %get3A_451 = tpu.vector_load %arg5[%get3A_450] {strides = array<i32>} : memref<512xf32, #tpu.memory_space<vmem>>, vector<16xf32>,
    %mul3A_452 = arith.constant 1.000000e+03 : f32
    %mul3A_453 = vector.broadcast %mul3A_452 : f32 to vector<16xf32>
    %mul3A_454 = arith.mulf %get3A_451, %mul3A_453 : vector<16xf32>
    %add3A_455 = arith.constant 0x4B000000 : f32
    %add3A_456 = vector.broadcast %add3A_455 : f32 to vector<16xf32>
    %add3A_457 = arith.addf %mul3A_454, %add3A_456 : vector<16xf32>
    %sub3A_458 = arith.constant 0x4B000000 : f32
    %sub3A_459 = vector.broadcast %sub3A_458 : f32 to vector<16xf32>
    %sub3A_460 = arith.subf %add3A_457, %sub3A_459 : vector<16xf32>
    %convert_element_type3A_461 = arith.fptosi %sub3A_460 : vector<16xf32> to vector<16xi32>
    %gather3A_462 = tpu.vector_load_idx %arg6[%convert_element_type3A_461] : memref<1001xf32, #tpu.memory_space<vmem>>[vector<16xi32>], vector<16xf32>,
    %swap3A_463 = arith.constant 480 : index
    %swap3A_464 = tpu.vector_load %arg7[%swap3A_463] {strides = array<i32>} : memref<512xf32, #tpu.memory_space<vmem>>, vector<16xf32>,
    tpu.vector_store %arg7[%swap3A_463], %gather3A_462 {strides = array<i32>} : memref<512xf32, #tpu.memory_space<vmem>>, vector<16xf32>,
    %get3A_465 = arith.constant 496 : index
    %get3A_466 = tpu.vector_load %arg5[%get3A_465] {strides = array<i32>} : memref<512xf32, #tpu.memory_space<vmem>>, vector<16xf32>,
    %mul3A_467 = arith.constant 1.000000e+03 : f32
    %mul3A_468 = vector.broadcast %mul3A_467 : f32 to vector<16xf32>
    %mul3A_469 = arith.mulf %get3A_466, %mul3A_468 : vector<16xf32>
    %add3A_470 = arith.constant 0x4B000000 : f32
    %add3A_471 = vector.broadcast %add3A_470 : f32 to vector<16xf32>
    %add3A_472 = arith.addf %mul3A_469, %add3A_471 : vector<16xf32>
    %sub3A_473 = arith.constant 0x4B000000 : f32
    %sub3A_474 = vector.broadcast %sub3A_473 : f32 to vector<16xf32>
    %sub3A_475 = arith.subf %add3A_472, %sub3A_474 : vector<16xf32>
    %convert_element_type3A_476 = arith.fptosi %sub3A_475 : vector<16xf32> to vector<16xi32>
    %gather3A_477 = tpu.vector_load_idx %arg6[%convert_element_type3A_476] : memref<1001xf32, #tpu.memory_space<vmem>>[vector<16xi32>], vector<16xf32>,
    %swap3A_478 = arith.constant 496 : index
    %swap3A_479 = tpu.vector_load %arg7[%swap3A_478] {strides = array<i32>} : memref<512xf32, #tpu.memory_space<vmem>>, vector<16xf32>,
    tpu.vector_store %arg7[%swap3A_478], %gather3A_477 {strides = array<i32>} : memref<512xf32, #tpu.memory_space<vmem>>, vector<16xf32>,
    "tpu.region"() ({
      %run_scoped3A = tpu.sem_alloc : memref<!tpu.dma_semaphore, #tpu.memory_space<semaphore_mem>>
      %dma_start3A_480 = tpu.memref_slice %arg4[%mul3A_2] : memref<16384xf32, #tpu.memory_space<hbm>> -> memref<512xf32, #tpu.memory_space<hbm>>
      %dma_start3A_481 = tpu.memref_slice %arg4[%mul3A_2] : memref<16384xf32, #tpu.memory_space<hbm>> -> memref<512xf32, #tpu.memory_space<hbm>>
      tpu.enqueue_dma source(%arg7 : memref<512xf32, #tpu.memory_space<vmem>>) target(%dma_start3A_481 : memref<512xf32, #tpu.memory_space<hbm>>) target_semaphore(%run_scoped3A : memref<!tpu.dma_semaphore, #tpu.memory_space<semaphore_mem>>)
      %dma_wait3A_482 = tpu.memref_slice %arg4[%mul3A_2] : memref<16384xf32, #tpu.memory_space<hbm>> -> memref<512xf32, #tpu.memory_space<hbm>>
      %dma_wait3A_483 = tpu.memref_slice %arg4[%mul3A_2] : memref<16384xf32, #tpu.memory_space<hbm>> -> memref<512xf32, #tpu.memory_space<hbm>>
      tpu.wait_dma2 semaphore(%run_scoped3A : memref<!tpu.dma_semaphore, #tpu.memory_space<semaphore_mem>>) src(%arg7 : memref<512xf32, #tpu.memory_space<vmem>>) dst(%dma_wait3A_483 : memref<512xf32, #tpu.memory_space<hbm>>)
      tpu.yield
    }) : () -> ()
    return
  }
}

</mosaic_0001>

<sc_bundles>
// kernel: kernel.3.cloned.1.call-start
scs
__scs_entry_jumppad:
0x0: {  	(pc) =	sbr.rel $0x88, $3  }
0x1: {  	(tag) =	ssettag $0x0;
	lr =	simm.s32 $0x1  }
0x2: {  	[smem:$0x3F9F] =	sst lr;
	_ =	strace $0xD0000000  }
0x3: {  	_ = 	snop  }
0x4: {  	_ = 	snop  }
0x5: {  	_ = 	snop  }
0x6: {  	_ = 	snop  }
0x7: {  	_ = 	snop  }
__scs_overlays_trampoline_lowered:
0x8: {  	[smem:$0x3FAE] =	sst s0  }
0x9: {  	[smem:$0x3FAF] =	sst s1  }
0xa: {  	[smem:$0x3FB0] =	sst s2  }
0xb: {  	[smem:$0x3FB1] =	sst s3  }
0xc: {  	[smem:$0x3FB2] =	sst s4  }
0xd: {  	[smem:$0x3FB3] =	sst s5  }
0xe: {  	[smem:$0x3FB4] =	sst s6  }
0xf: {  	[smem:$0x3FB5] =	sst s7  }
0x10: {  	[smem:$0x3FB6] =	sst s8  }
0x11: {  	[smem:$0x3FB7] =	sst s9;
	s0 =	simm.s32 @!p0 $0x0  }
0x12: {  	s1 =	sld [smem:$0x3F9D];
	s0 =	simm.s32 @p0 $0x1  }
0x13: {  	[smem:$0x3FB8] =	sst s0;
	s0 =	simm.s32 @!p1 $0x0  }
0x14: {  	s2 =	sld [smem:$0x3F9C];
	s0 =	simm.s32 @p1 $0x1  }
0x15: {  	[smem:$0x3FB9] =	sst s0;
	s0 =	simm.s32 @!p2 $0x0  }
0x16: {  	s3 =	sld [smem:$0x3FDB];
	s0 =	simm.s32 @p2 $0x1  }
0x17: {  	s4 =	simm.s32 $0x1BF5;
	[smem:$0x3FBB] =	sst s0  }
0x18: {  	s0 =	sld [smem:$0x3F9E];
	_ =	swait.ge [sflag:s4], $0x0  }
0x19: {  	s7 =	sld [smem:$0x3F9F]  }
0x1a: {  	s8 =	sadd.s32 $0xFFFFE003, lr  }
0x1b: {  	s9 =	sadd.s32 $0xFFFFFEF7, lr;
	s5 =	simm.s32 $0xFFFFFFFF;
	p2 =	slt.u32 s8, $0xFFFFF086  }
0x1c: {  	p1 =	slt.u32 s9, $0xF7A;
	s5 =	simm.s32 @!p2 $0x0  }
0x1d: {  	s5 =	simm.s32 @p1 $0x1;
	p0 =	seq.s32 s7, s2  }
0x1e: {  	s7 =	smul.u32 @!p0 $0xF7A, s2;
	p2 =	seq.s32 @!p0 s5, $0x0  }
0x1f: {  	s9 =	smul.u32 $0xF7A, s1;
	s8 =	simm.s32 @!p0 $0x1BF5;
	p2 =	por !p2, p0  }
0x20: {  	[sflag:s8] =	ssyncset.s32 @!p0 $0xFFFFF086;
	s6 =	sadd.s32 @!p0 s3, s7;
	s7 =	simm.s32 @!p0 $0x108  }
0x21: {  	s3 =	sadd.s32 s3, s9;
	s6 =	sadd.s32 @!p0 $0x88, s6;
	s7 =	simm.s32 @p2 $0x1082  }
0x22: {  	[simem:s7], [sflag:s8] =	dma.local @!p0 [hbm:s6], $0xF7A  }
0x23: {  	s9 =	sor.u32 $0xD0000000, s2;
	s6 =	simm.s32 $0x108;
	_ =	swait.ge @!p0 [sflag:s8], $0x0  }
0x24: {  	s3 =	sadd.s32 $0x88, s3;
	s6 =	simm.s32 @!p1 $0x1082;
	[sflag:s4] =	ssyncset.s32 $0xFFFFF086  }
0x25: {  	[simem:s6], [sflag:s4] =	dma.local [hbm:s3], $0xF7A  }
0x26: {  	[smem:$0x3F9F] =	sst s1;
	(tag) =	ssettag s2;
	_ =	strace s9  }
0x27: {  	s1 =	sld [smem:$0x3FAF]  }
0x28: {  	s2 =	sld [smem:$0x3FB0]  }
0x29: {  	s4 =	sld [smem:$0x3FB2]  }
0x2a: {  	p0 =	seq.s32 s5, $0x0;
	s5 =	sld [smem:$0x3FB3]  }
0x2b: {  	s6 =	sld [smem:$0x3FB4]  }
0x2c: {  	s7 =	sld [smem:$0x3FB5]  }
0x2d: {  	s3 =	simm.s32 $0x108;
	s8 =	sld [smem:$0x3FB6]  }
0x2e: {  	s3 =	simm.s32 @!p0 $0x1082;
	s9 =	sld [smem:$0x3FB7]  }
0x2f: {  	lr =	sadd.s32 s0, s3;
	s0 =	sld [smem:$0x3FAE]  }
0x30: {  	s3 =	sld [smem:$0x3FB1]  }
0x31: {  	[smem:$0x3FBA] =	sst s10  }
0x32: {  	s10 =	sld [smem:$0x3FB8];
	_ =	sdelay $0x3  }
0x33: {  	p0 =	seq.s32 s10, $0x1;
	s10 =	sld [smem:$0x3FBA];
	_ =	sdelay $0x3  }
0x34: {  	[smem:$0x3FBA] =	sst s10  }
0x35: {  	s10 =	sld [smem:$0x3FB9];
	_ =	sdelay $0x3  }
0x36: {  	p1 =	seq.s32 s10, $0x1;
	s10 =	sld [smem:$0x3FBA];
	_ =	sdelay $0x3  }
0x37: {  	[smem:$0x3FBA] =	sst s10  }
0x38: {  	s10 =	sld [smem:$0x3FBB]  }
0x39: {  	_ = 	snop;
	(pc) =	sbr.ind lr, $3  }
0x3a: {  	_ = 	snop  }
0x3b: {  	_ = 	snop  }
0x3c: {  	p2 =	seq.s32 s10, $0x1;
	s10 =	sld [smem:$0x3FBA]  }
0x3d: {  	_ =	shalt  }
0x3e: {  	_ =	shalt  }
0x3f: {  	_ =	shalt  }
0x40: {  	_ =	shalt  }
0x41: {  	_ =	shalt  }
0x42: {  	_ =	shalt  }
0x43: {  	_ =	shalt  }
0x44: {  	_ =	shalt  }
0x45: {  	_ =	shalt  }
0x46: {  	_ =	shalt  }
0x47: {  	_ =	shalt  }
0x48: {  	_ =	shalt  }
0x49: {  	_ =	shalt  }
0x4a: {  	_ =	shalt  }
0x4b: {  	_ =	shalt  }
0x4c: {  	_ =	shalt  }
0x4d: {  	_ =	shalt  }
0x4e: {  	_ =	shalt  }
0x4f: {  	_ =	shalt  }
0x50: {  	_ =	shalt  }
0x51: {  	_ =	shalt  }
0x52: {  	_ =	shalt  }
0x53: {  	_ =	shalt  }
0x54: {  	_ =	shalt  }
0x55: {  	_ =	shalt  }
0x56: {  	_ =	shalt  }
0x57: {  	_ =	shalt  }
0x58: {  	_ =	shalt  }
0x59: {  	_ =	shalt  }
0x5a: {  	_ =	shalt  }
0x5b: {  	_ =	shalt  }
0x5c: {  	_ =	shalt  }
0x5d: {  	_ =	shalt  }
0x5e: {  	_ =	shalt  }
0x5f: {  	_ =	shalt  }
0x60: {  	_ =	shalt  }
0x61: {  	_ =	shalt  }
0x62: {  	_ =	shalt  }
0x63: {  	_ =	shalt  }
0x64: {  	_ =	shalt  }
0x65: {  	_ =	shalt  }
0x66: {  	_ =	shalt  }
0x67: {  	_ =	shalt  }
0x68: {  	_ =	shalt  }
0x69: {  	_ =	shalt  }
0x6a: {  	_ =	shalt  }
0x6b: {  	_ =	shalt  }
0x6c: {  	_ =	shalt  }
0x6d: {  	_ =	shalt  }
0x6e: {  	_ =	shalt  }
0x6f: {  	_ =	shalt  }
0x70: {  	_ =	shalt  }
0x71: {  	_ =	shalt  }
0x72: {  	_ =	shalt  }
0x73: {  	_ =	shalt  }
0x74: {  	_ =	shalt  }
0x75: {  	_ =	shalt  }
0x76: {  	_ =	shalt  }
0x77: {  	_ =	shalt  }
0x78: {  	_ =	shalt  }
0x79: {  	_ =	shalt  }
0x7a: {  	_ =	shalt  }
0x7b: {  	_ =	shalt  }
0x7c: {  	_ =	shalt  }
0x7d: {  	_ =	shalt  }
0x7e: {  	_ =	shalt  }
0x7f: {  	_ =	shalt  }
0x80: {  	_ =	shalt  }
0x81: {  	_ =	shalt  }
0x82: {  	_ =	shalt  }
0x83: {  	_ =	shalt  }
0x84: {  	_ =	shalt  }
0x85: {  	_ =	shalt  }
0x86: {  	_ =	shalt  }
0x87: {  	_ =	shalt  }
.Lfunc_end0:
.L_simem_size_0:
called_computation_lowered:
.L_overlay_start_0:
0x88: {  	s2 =	sld [smem:$0x3FD9]  }
0x89: {  	s3 =	sld [smem:$0x3FFE];
	_ =	sdelay $0x1  }
0x8a: {  	s1 =	srdreg.scid  }
0x8b: {  	s0 =	sand.u32 $0x1, s1  }
0x8c: {  	s18 =	sshll.u32 s0, $0xA;
	s2 =	sadd.s32 s3, s2  }
0x8d: {  	s2 =	sadd.s32 s2, s18  }
0x8e: {  	[smem:$0x3FC6] =	sst s2  }
0x8f: {  	_ = 	snop  }
0x90: {  	s2 =	sld [smem:$0x3FC9]  }
0x91: {  	s19 =	sld [smem:$0x3FC8]  }
0x92: {  	s4 =	sld [smem:$0x3FD0];
	(tm) =	ssettm $0x1  }
0x93: {  	s5 =	sld [smem:$0x3FFB];
	_ =	sdelay $0x3  }
0x94: {  	_ =	strace s5  }
0x95: {  	s5 =	sld [smem:$0x3FFC];
	_ =	sdelay $0x3  }
0x96: {  	_ =	strace s5  }
0x97: {  	s5 =	sld [smem:$0x3FFD];
	_ =	sdelay $0x3  }
0x98: {  	_ =	strace s5  }
0x99: {  	_ =	strace $0x8FFFFFFF  }
0x9a: {  	s20 =	sld [smem:$0x3FDB];
	_ =	sdelay $0x1  }
0x9b: {  	s6 =	simm.s32 $_scs_section_size  }
0x9c: {  	s7 =	simm.s32 $_size__tile_overlayer_lowered;
	s8 =	simm.s32 $_tile_overlayer_lowered  }
0x9d: {  	s23 =	simm.s32 $0x1BFF;
	s22 =	sshll.u32 s8, $0x1;
	s5 =	sadd.s32 s6, s20  }
0x9e: {  	s9 =	simm.s32 $0x0;
	s21 =	sshll.u32 s7, $0x1;
	s7 =	sadd.s32 s22, s5  }
0x9f: {  	[timem:s9], [sflag:s23] =	dma.local [hbm:s7], s21  }
0xa0: {  	_ =	swait.ge [sflag:s23], s21  }
0xa1: {  	s6 =	ssub.s32 $0x0, s21;
	[sflag:s23] =	ssyncset.done $0x0  }
0xa2: {  	[sflag:s23] =	ssyncadd.s32 s6;
	_ =	sdelay $0x1  }
0xa3: {  	s24 =	simm.s32 $0x1B8B  }
0xa4: {  	_ =	swait.ge [sflag:s24], $0x1  }
0xa5: {  	[sflag:s24] =	ssyncset.done $0x0  }
0xa6: {  	s25 =	simm.s32 $0x1B8E;
	[sflag:s24] =	ssyncadd.s32 $0xFFFFFFFF  }
0xa7: {  	s26 =	simm.s32 $execute0_lowered;
	[smem:$0x3FD2] =	sst s25  }
0xa8: {  	s6 =	sshll.u32 s26, $0x1;
	_ =	strace $0x80000046;
	[dreg:$0x1] =	wrdreg $0xFFFFFFFF  }
0xa9: {  	s28 =	simm.s32 $_size_execute0_lowered;
	s5 =	sadd.s32 s5, s6;
	[dreg:$0x0] =	wrdreg $0x0  }
0xaa: {  	s6 =	sshll.u32 s28, $0x1;
	[dreg:$0x2] =	wrdreg s5  }
0xab: {  	[dreg:$0x3] =	wrdreg s6  }
0xac: {  	[dreg:$0x4] =	wrdreg $0xC0  }
0xad: {  	_ =	task [dreg:s9], $0x5FFFF  }
0xae: {  	[dreg:$0x1] =	wrdreg $0xFFFFFFFF  }
0xaf: {  	[dreg:$0x0] =	wrdreg $0x60  }
0xb0: {  	[dreg:$0x2] =	wrdreg s2  }
0xb1: {  	[dreg:$0x3] =	wrdreg s19  }
0xb2: {  	[dreg:$0x4] =	wrdreg s4  }
0xb3: {  	[dreg:$0x5] =	wrdreg $0x9  }
0xb4: {  	_ =	task.clear_ibuf [dreg:s9], $0x6FFFF;
	_ =	strace $0x90000046  }
0xb5: {  	s29 =	simm.s32 $0x9;
	_ =	strace $0x80000048  }
0xb6: {  	_ =	swait.ge [sflag:s29], $0x1  }
0xb7: {  	[sflag:s29] =	ssyncadd.s32 $0xFFFFFFFF  }
0xb8: {  	_ =	strace $0x90000048  }
0xb9: {  	_ =	sfence  }
0xba: {  	s30 =	sld [smem:$0x0];
	_ =	sdelay $0x2  }
0xbb: {  	s31 =	sshll.u32 s1, $0xD;
	s1 =	sshrl.u32 s1, $0x2  }
0xbc: {  	s3 =	sand.u32 $0x4000, s31;
	s1 =	sadd.s32 s1, s30  }
0xbd: {  	s0 =	sor.u32 s3, s0;
	s1 =	sshll.u32 s1, $0x11  }
0xbe: {  	s0 =	sor.u32 s1, s0  }
0xbf: {  	s0 =	sadd.s32 $0x8F2B, s0  }
0xc0: {  	[sflag:s0] =	ssyncadd.remote.s32 $0x1  }
0xc1: {  	_ =	sfence.sel $0xFFFF  }
0xc2: {  	[dreg:$0x0] =	wrdreg $0xFFFFFFFF;
	(pc) =	sbr.abs _section_cstart, $3  }
0xc3: {  	[dreg:$0x1] =	wrdreg $0xFFFFFFFF  }
0xc4: {  	_ =	task.clear_ibuf [dreg:s9], $0x2FFFF;
	_ =	strace $0x9FFFFFFF  }
0xc5: {  	(tm) =	ssettm $0x7FFFFFFF  }
tec
execute0_lowered:
.L_overlay_start_1:
0x0: {  	(tag) =	ssettag $0x1  }
0x1: {  	s5 =	rddreg [dreg:$0x0]  }
0x2: {  	s2 =	rddreg [dreg:$0x1]  }
0x3: {  	s8 =	rddreg [dreg:$0x2]  }
0x4: {  	s0 =	rddreg [dreg:$0x3];
	s4 =	srdreg.scid  }
0x5: {  	s3 =	simm.s32 $0x0;
	s1 =	stileid.u32;
	s9 =	sand.u32 $0x1, s4  }
0x6: {  	[smem:$0x7FF] =	sst s3;
	s31 =	sshll.u32 s1, $0x7;
	s6 =	sshll.u32 s9, $0x6  }
0x7: {  	s4 =	simm.s32 $0x200;
	_ =	strace $0x80000047;
	s10 =	sor.u32 s6, s31  }
0x8: {  	[tilespmem:s4], [sflag:$0x1] =	stream.linear.gather [hbm4b:s2+s3], $0x400, $0x38;
	[tilespmem:$0x800] =	vst v63  }
0x9: {  	s6 =	simm.s32 $0x2;
	s5 =	sadd.s32 s5, s10  }
0xa: {  	[tilespmem:s3], [sflag:$0x2] =	stream.linear.gather [hbm4b:s5+s3], $0x200, $0x38;
	[tilespmem:$0x800] =	vst v63  }
0xb: {  	_ =	swait.ge [sflag:s6], $0x200  }
0xc: {  	[sflag:s6] =	ssyncset.done $0x0  }
0xd: {  	s7 =	simm.s32 $0x1;
	[sflag:s6] =	ssyncadd.s32 $0xFFFFFE00  }
0xe: {  	_ =	swait.ge [sflag:s7], $0x400  }
0xf: {  	[sflag:s7] =	ssyncset.done $0x0  }
0x10: {  	[sflag:s7] =	ssyncadd.s32 $0xFFFFFC00  }
0x11: {  	v0 =	vld [tilespmem:$0x0];
	_ =	sdelay $0x4  }
0x12: {  	v0 =	vmul.f32 $1.000000000e+03, v0  }
0x13: {  	v1 =	vld [tilespmem:$0x10]  }
0x14: {  	v0 =	vadd.f32 $8.388608000e+06, v0;
	_ =	sdelay $0x1  }
0x15: {  	v0 =	vadd.f32 $-8.388608000e+06, v0;
	_ =	sdelay $0x1  }
0x16: {  	v1 =	vmul.f32 $1.000000000e+03, v1;
	v0 =	vtrunc.f32 v0  }
0x17: {  	v2 =	vld [tilespmem:$0x20];
	v0 =	vcvt.f32.s32 v0  }
0x18: {  	v1 =	vadd.f32 $8.388608000e+06, v1;
	_ =	sdelay $0x1  }
0x19: {  	v1 =	vadd.f32 $-8.388608000e+06, v1;
	_ =	sdelay $0x1  }
0x1a: {  	v3 =	vld [tilespmem:$0x30];
	v2 =	vmul.f32 $1.000000000e+03, v2;
	v1 =	vtrunc.f32 v1  }
0x1b: {  	v1 =	vcvt.f32.s32 v1;
	v0 =	vld.idx.msk [tilespmem:v0+s4+$0x0], $0xffff  }
0x1c: {  	v2 =	vadd.f32 $8.388608000e+06, v2;
	_ =	sdelay $0x1  }
0x1d: {  	v2 =	vadd.f32 $-8.388608000e+06, v2;
	_ =	sdelay $0x1  }
0x1e: {  	v4 =	vld [tilespmem:$0x40];
	v3 =	vmul.f32 $1.000000000e+03, v3;
	v2 =	vtrunc.f32 v2;
	[tilespmem:$0x600] =	vst v0  }
0x1f: {  	v34 =	vcvt.f32.s32 v2;
	v0 =	vld.idx.msk [tilespmem:v1+s4+$0x0], $0xffff  }
0x20: {  	v35 =	vadd.f32 $8.388608000e+06, v3;
	_ =	sdelay $0x1  }
0x21: {  	v2 =	vadd.f32 $-8.388608000e+06, v35;
	_ =	sdelay $0x1  }
0x22: {  	v36 =	vld [tilespmem:$0x50];
	v4 =	vmul.f32 $1.000000000e+03, v4;
	v2 =	vtrunc.f32 v2;
	[tilespmem:$0x610] =	vst v0  }
0x23: {  	v37 =	vcvt.f32.s32 v2;
	v0 =	vld.idx.msk [tilespmem:v34+s4+$0x0], $0xffff  }
0x24: {  	v38 =	vadd.f32 $8.388608000e+06, v4;
	_ =	sdelay $0x1  }
0x25: {  	v2 =	vadd.f32 $-8.388608000e+06, v38;
	_ =	sdelay $0x1  }
0x26: {  	v39 =	vld [tilespmem:$0x60];
	v3 =	vmul.f32 $1.000000000e+03, v36;
	v2 =	vtrunc.f32 v2;
	[tilespmem:$0x620] =	vst v0  }
0x27: {  	v40 =	vcvt.f32.s32 v2;
	v0 =	vld.idx.msk [tilespmem:v37+s4+$0x0], $0xffff  }
0x28: {  	v41 =	vadd.f32 $8.388608000e+06, v3;
	_ =	sdelay $0x1  }
0x29: {  	v2 =	vadd.f32 $-8.388608000e+06, v41;
	_ =	sdelay $0x1  }
0x2a: {  	v42 =	vld [tilespmem:$0x70];
	v4 =	vmul.f32 $1.000000000e+03, v39;
	v2 =	vtrunc.f32 v2;
	[tilespmem:$0x630] =	vst v0  }
0x2b: {  	v43 =	vcvt.f32.s32 v2;
	v0 =	vld.idx.msk [tilespmem:v40+s4+$0x0], $0xffff  }
0x2c: {  	v44 =	vadd.f32 $8.388608000e+06, v4;
	_ =	sdelay $0x1  }
0x2d: {  	v2 =	vadd.f32 $-8.388608000e+06, v44;
	_ =	sdelay $0x1  }
0x2e: {  	v45 =	vld [tilespmem:$0x80];
	v3 =	vmul.f32 $1.000000000e+03, v42;
	v2 =	vtrunc.f32 v2;
	[tilespmem:$0x640] =	vst v0  }
0x2f: {  	v46 =	vcvt.f32.s32 v2;
	v0 =	vld.idx.msk [tilespmem:v43+s4+$0x0], $0xffff  }
0x30: {  	v47 =	vadd.f32 $8.388608000e+06, v3;
	_ =	sdelay $0x1  }
0x31: {  	v2 =	vadd.f32 $-8.388608000e+06, v47;
	_ =	sdelay $0x1  }
0x32: {  	v48 =	vld [tilespmem:$0x90];
	v4 =	vmul.f32 $1.000000000e+03, v45;
	v2 =	vtrunc.f32 v2;
	[tilespmem:$0x650] =	vst v0  }
0x33: {  	v49 =	vcvt.f32.s32 v2;
	v0 =	vld.idx.msk [tilespmem:v46+s4+$0x0], $0xffff  }
0x34: {  	v50 =	vadd.f32 $8.388608000e+06, v4;
	_ =	sdelay $0x1  }
0x35: {  	v2 =	vadd.f32 $-8.388608000e+06, v50;
	_ =	sdelay $0x1  }
0x36: {  	v51 =	vld [tilespmem:$0xA0];
	v3 =	vmul.f32 $1.000000000e+03, v48;
	v2 =	vtrunc.f32 v2;
	[tilespmem:$0x660] =	vst v0  }
0x37: {  	v52 =	vcvt.f32.s32 v2;
	v0 =	vld.idx.msk [tilespmem:v49+s4+$0x0], $0xffff  }
0x38: {  	v53 =	vadd.f32 $8.388608000e+06, v3;
	_ =	sdelay $0x1  }
0x39: {  	v2 =	vadd.f32 $-8.388608000e+06, v53;
	_ =	sdelay $0x1  }
0x3a: {  	v54 =	vld [tilespmem:$0xB0];
	v4 =	vmul.f32 $1.000000000e+03, v51;
	v2 =	vtrunc.f32 v2;
	[tilespmem:$0x670] =	vst v0  }
0x3b: {  	v55 =	vcvt.f32.s32 v2;
	v0 =	vld.idx.msk [tilespmem:v52+s4+$0x0], $0xffff  }
0x3c: {  	v56 =	vadd.f32 $8.388608000e+06, v4;
	_ =	sdelay $0x1  }
0x3d: {  	v2 =	vadd.f32 $-8.388608000e+06, v56;
	_ =	sdelay $0x1  }
0x3e: {  	v57 =	vld [tilespmem:$0xC0];
	v3 =	vmul.f32 $1.000000000e+03, v54;
	v2 =	vtrunc.f32 v2;
	[tilespmem:$0x680] =	vst v0  }
0x3f: {  	v58 =	vcvt.f32.s32 v2;
	v0 =	vld.idx.msk [tilespmem:v55+s4+$0x0], $0xffff  }
0x40: {  	v59 =	vadd.f32 $8.388608000e+06, v3;
	_ =	sdelay $0x1  }
0x41: {  	v2 =	vadd.f32 $-8.388608000e+06, v59;
	_ =	sdelay $0x1  }
0x42: {  	v60 =	vld [tilespmem:$0xD0];
	v4 =	vmul.f32 $1.000000000e+03, v57;
	v2 =	vtrunc.f32 v2;
	[tilespmem:$0x690] =	vst v0  }
0x43: {  	v61 =	vcvt.f32.s32 v2;
	v0 =	vld.idx.msk [tilespmem:v58+s4+$0x0], $0xffff  }
0x44: {  	v62 =	vadd.f32 $8.388608000e+06, v4;
	_ =	sdelay $0x1  }
0x45: {  	v2 =	vadd.f32 $-8.388608000e+06, v62;
	_ =	sdelay $0x1  }
0x46: {  	v63 =	vld [tilespmem:$0xE0];
	v3 =	vmul.f32 $1.000000000e+03, v60;
	v2 =	vtrunc.f32 v2;
	[tilespmem:$0x6A0] =	vst v0  }
0x47: {  	v8 =	vcvt.f32.s32 v2;
	v0 =	vld.idx.msk [tilespmem:v61+s4+$0x0], $0xffff  }
0x48: {  	v9 =	vadd.f32 $8.388608000e+06, v3;
	_ =	sdelay $0x1  }
0x49: {  	v2 =	vadd.f32 $-8.388608000e+06, v9;
	_ =	sdelay $0x1  }
0x4a: {  	v10 =	vld [tilespmem:$0xF0];
	v4 =	vmul.f32 $1.000000000e+03, v63;
	v2 =	vtrunc.f32 v2;
	[tilespmem:$0x6B0] =	vst v0  }
0x4b: {  	v11 =	vcvt.f32.s32 v2;
	v0 =	vld.idx.msk [tilespmem:v8+s4+$0x0], $0xffff  }
0x4c: {  	v12 =	vadd.f32 $8.388608000e+06, v4;
	_ =	sdelay $0x1  }
0x4d: {  	v2 =	vadd.f32 $-8.388608000e+06, v12;
	_ =	sdelay $0x1  }
0x4e: {  	v13 =	vld [tilespmem:$0x100];
	v3 =	vmul.f32 $1.000000000e+03, v10;
	v2 =	vtrunc.f32 v2;
	[tilespmem:$0x6C0] =	vst v0  }
0x4f: {  	v14 =	vcvt.f32.s32 v2;
	v0 =	vld.idx.msk [tilespmem:v11+s4+$0x0], $0xffff  }
0x50: {  	v15 =	vadd.f32 $8.388608000e+06, v3;
	_ =	sdelay $0x1  }
0x51: {  	v2 =	vadd.f32 $-8.388608000e+06, v15;
	_ =	sdelay $0x1  }
0x52: {  	v16 =	vld [tilespmem:$0x110];
	v4 =	vmul.f32 $1.000000000e+03, v13;
	v2 =	vtrunc.f32 v2;
	[tilespmem:$0x6D0] =	vst v0  }
0x53: {  	v17 =	vcvt.f32.s32 v2;
	v0 =	vld.idx.msk [tilespmem:v14+s4+$0x0], $0xffff  }
0x54: {  	v18 =	vadd.f32 $8.388608000e+06, v4;
	_ =	sdelay $0x1  }
0x55: {  	v2 =	vadd.f32 $-8.388608000e+06, v18;
	_ =	sdelay $0x1  }
0x56: {  	v19 =	vld [tilespmem:$0x120];
	v3 =	vmul.f32 $1.000000000e+03, v16;
	v2 =	vtrunc.f32 v2;
	[tilespmem:$0x6E0] =	vst v0  }
0x57: {  	v20 =	vcvt.f32.s32 v2;
	v0 =	vld.idx.msk [tilespmem:v17+s4+$0x0], $0xffff  }
0x58: {  	v21 =	vadd.f32 $8.388608000e+06, v3;
	_ =	sdelay $0x1  }
0x59: {  	v2 =	vadd.f32 $-8.388608000e+06, v21;
	_ =	sdelay $0x1  }
0x5a: {  	v22 =	vld [tilespmem:$0x130];
	v4 =	vmul.f32 $1.000000000e+03, v19;
	v2 =	vtrunc.f32 v2;
	[tilespmem:$0x6F0] =	vst v0  }
0x5b: {  	v23 =	vcvt.f32.s32 v2;
	v0 =	vld.idx.msk [tilespmem:v20+s4+$0x0], $0xffff  }
0x5c: {  	v24 =	vadd.f32 $8.388608000e+06, v4;
	_ =	sdelay $0x1  }
0x5d: {  	v2 =	vadd.f32 $-8.388608000e+06, v24;
	_ =	sdelay $0x1  }
0x5e: {  	v25 =	vld [tilespmem:$0x140];
	v3 =	vmul.f32 $1.000000000e+03, v22;
	v2 =	vtrunc.f32 v2;
	[tilespmem:$0x700] =	vst v0  }
0x5f: {  	v26 =	vcvt.f32.s32 v2;
	v0 =	vld.idx.msk [tilespmem:v23+s4+$0x0], $0xffff  }
0x60: {  	v27 =	vadd.f32 $8.388608000e+06, v3;
	_ =	sdelay $0x1  }
0x61: {  	v2 =	vadd.f32 $-8.388608000e+06, v27;
	_ =	sdelay $0x1  }
0x62: {  	v28 =	vld [tilespmem:$0x150];
	v4 =	vmul.f32 $1.000000000e+03, v25;
	v2 =	vtrunc.f32 v2;
	[tilespmem:$0x710] =	vst v0  }
0x63: {  	v29 =	vcvt.f32.s32 v2;
	v0 =	vld.idx.msk [tilespmem:v26+s4+$0x0], $0xffff  }
0x64: {  	v30 =	vadd.f32 $8.388608000e+06, v4;
	_ =	sdelay $0x1  }
0x65: {  	v2 =	vadd.f32 $-8.388608000e+06, v30;
	_ =	sdelay $0x1  }
0x66: {  	v31 =	vld [tilespmem:$0x160];
	v3 =	vmul.f32 $1.000000000e+03, v28;
	v2 =	vtrunc.f32 v2;
	[tilespmem:$0x720] =	vst v0  }
0x67: {  	v32 =	vcvt.f32.s32 v2;
	v0 =	vld.idx.msk [tilespmem:v29+s4+$0x0], $0xffff  }
0x68: {  	v33 =	vadd.f32 $8.388608000e+06, v3;
	_ =	sdelay $0x1  }
0x69: {  	v2 =	vadd.f32 $-8.388608000e+06, v33;
	_ =	sdelay $0x1  }
0x6a: {  	v4 =	vmul.f32 $1.000000000e+03, v31;
	v34 =	vld [tilespmem:$0x170];
	v2 =	vtrunc.f32 v2;
	[tilespmem:$0x730] =	vst v0  }
0x6b: {  	v35 =	vcvt.f32.s32 v2;
	v0 =	vld.idx.msk [tilespmem:v32+s4+$0x0], $0xffff  }
0x6c: {  	v36 =	vadd.f32 $8.388608000e+06, v4;
	_ =	sdelay $0x1  }
0x6d: {  	v2 =	vadd.f32 $-8.388608000e+06, v36;
	_ =	sdelay $0x1  }
0x6e: {  	v3 =	vmul.f32 $1.000000000e+03, v34;
	v37 =	vld [tilespmem:$0x180];
	v2 =	vtrunc.f32 v2;
	[tilespmem:$0x740] =	vst v0  }
0x6f: {  	v38 =	vcvt.f32.s32 v2;
	v0 =	vld.idx.msk [tilespmem:v35+s4+$0x0], $0xffff  }
0x70: {  	v39 =	vadd.f32 $8.388608000e+06, v3;
	_ =	sdelay $0x1  }
0x71: {  	v2 =	vadd.f32 $-8.388608000e+06, v39;
	_ =	sdelay $0x1  }
0x72: {  	v4 =	vmul.f32 $1.000000000e+03, v37;
	v40 =	vld [tilespmem:$0x190];
	v2 =	vtrunc.f32 v2;
	[tilespmem:$0x750] =	vst v0  }
0x73: {  	v41 =	vcvt.f32.s32 v2;
	v0 =	vld.idx.msk [tilespmem:v38+s4+$0x0], $0xffff  }
0x74: {  	v42 =	vadd.f32 $8.388608000e+06, v4;
	_ =	sdelay $0x1  }
0x75: {  	v2 =	vadd.f32 $-8.388608000e+06, v42;
	_ =	sdelay $0x1  }
0x76: {  	v3 =	vmul.f32 $1.000000000e+03, v40;
	v43 =	vld [tilespmem:$0x1A0];
	v2 =	vtrunc.f32 v2;
	[tilespmem:$0x760] =	vst v0  }
0x77: {  	v44 =	vcvt.f32.s32 v2;
	v0 =	vld.idx.msk [tilespmem:v41+s4+$0x0], $0xffff  }
0x78: {  	v45 =	vadd.f32 $8.388608000e+06, v3;
	_ =	sdelay $0x1  }
0x79: {  	v2 =	vadd.f32 $-8.388608000e+06, v45;
	_ =	sdelay $0x1  }
0x7a: {  	v4 =	vmul.f32 $1.000000000e+03, v43;
	v46 =	vld [tilespmem:$0x1B0];
	v2 =	vtrunc.f32 v2;
	[tilespmem:$0x770] =	vst v0  }
0x7b: {  	v47 =	vcvt.f32.s32 v2;
	v0 =	vld.idx.msk [tilespmem:v44+s4+$0x0], $0xffff  }
0x7c: {  	v48 =	vadd.f32 $8.388608000e+06, v4;
	_ =	sdelay $0x1  }
0x7d: {  	v2 =	vadd.f32 $-8.388608000e+06, v48;
	_ =	sdelay $0x1  }
0x7e: {  	v3 =	vmul.f32 $1.000000000e+03, v46;
	v49 =	vld [tilespmem:$0x1C0];
	v2 =	vtrunc.f32 v2;
	[tilespmem:$0x780] =	vst v0  }
0x7f: {  	v50 =	vcvt.f32.s32 v2;
	v0 =	vld.idx.msk [tilespmem:v47+s4+$0x0], $0xffff  }
0x80: {  	v51 =	vadd.f32 $8.388608000e+06, v3;
	_ =	sdelay $0x1  }
0x81: {  	v2 =	vadd.f32 $-8.388608000e+06, v51;
	_ =	sdelay $0x1  }
0x82: {  	v4 =	vmul.f32 $1.000000000e+03, v49;
	v52 =	vld [tilespmem:$0x1D0];
	v2 =	vtrunc.f32 v2;
	[tilespmem:$0x790] =	vst v0  }
0x83: {  	v53 =	vcvt.f32.s32 v2;
	v0 =	vld.idx.msk [tilespmem:v50+s4+$0x0], $0xffff  }
0x84: {  	v54 =	vadd.f32 $8.388608000e+06, v4;
	_ =	sdelay $0x1  }
0x85: {  	v2 =	vadd.f32 $-8.388608000e+06, v54;
	_ =	sdelay $0x1  }
0x86: {  	v3 =	vmul.f32 $1.000000000e+03, v52;
	v55 =	vld [tilespmem:$0x1E0];
	v2 =	vtrunc.f32 v2;
	[tilespmem:$0x7A0] =	vst v0  }
0x87: {  	v56 =	vcvt.f32.s32 v2;
	v0 =	vld.idx.msk [tilespmem:v53+s4+$0x0], $0xffff  }
0x88: {  	v57 =	vadd.f32 $8.388608000e+06, v3;
	_ =	sdelay $0x1  }
0x89: {  	v2 =	vadd.f32 $-8.388608000e+06, v57;
	_ =	sdelay $0x1  }
0x8a: {  	v4 =	vmul.f32 $1.000000000e+03, v55;
	v58 =	vld [tilespmem:$0x1F0];
	v2 =	vtrunc.f32 v2;
	[tilespmem:$0x7B0] =	vst v0  }
0x8b: {  	v59 =	vcvt.f32.s32 v2;
	v0 =	vld.idx.msk [tilespmem:v56+s4+$0x0], $0xffff  }
0x8c: {  	v60 =	vadd.f32 $8.388608000e+06, v4;
	_ =	sdelay $0x1  }
0x8d: {  	v2 =	vadd.f32 $-8.388608000e+06, v60;
	_ =	sdelay $0x1  }
0x8e: {  	v3 =	vmul.f32 $1.000000000e+03, v58;
	v2 =	vtrunc.f32 v2;
	[tilespmem:$0x7C0] =	vst v0  }
0x8f: {  	v61 =	vcvt.f32.s32 v2;
	v0 =	vld.idx.msk [tilespmem:v59+s4+$0x0], $0xffff  }
0x90: {  	v62 =	vadd.f32 $8.388608000e+06, v3;
	_ =	sdelay $0x1  }
0x91: {  	v2 =	vadd.f32 $-8.388608000e+06, v62;
	_ =	sdelay $0x1  }
0x92: {  	v2 =	vtrunc.f32 v2;
	[tilespmem:$0x7D0] =	vst v0  }
0x93: {  	v63 =	vcvt.f32.s32 v2;
	v0 =	vld.idx.msk [tilespmem:v61+s4+$0x0], $0xffff;
	_ =	sdelay $0x4  }
0x94: {  	s9 =	ssub.s32 $0x2, s9;
	[tilespmem:$0x7E0] =	vst v0  }
0x95: {  	s11 =	sshrl.u32 s9, $0x1;
	v0 =	vld.idx.msk [tilespmem:v63+s4+$0x0], $0xffff  }
0x96: {  	s9 =	ssub.s32 s9, s11  }
0x97: {  	s11 =	smax.u32 s9, $0x1  }
0x98: {  	p0 =	sne.s32 s11, $0x1  }
.Ltmp0:
0x99: {  	_ = 	snop;
	(pc) =	sbr.rel @!p0 .LBB2_2-.Ltmp0, $4  }
0x9a: {  	s8 =	sadd.s32 s8, s10;
	s10 =	simm.s32 $0x600;
	s9 =	simm.s32 $0x3;
	[tilespmem:$0x7F0] =	vst v0  }
0x9b: {  	[hbm4b:s8+s3] =	stream.linear.scatter [tilespmem:s10], [sflag:$0x3], $0x200, $0x38;
	[tilespmem:$0x800] =	vst v63  }
0x9c: {  	_ =	swait.ge [sflag:s9], $0x200  }
0x9d: {  	s11 =	sadd.s32 $0xFFFFFFFF, s11;
	[sflag:s9] =	ssyncset.done $0x0  }
.LBB2_1:
0x9e: {  	p0 =	sne.s32 s11, $0x1;
	s11 =	sadd.s32 $0xFFFFFFFF, s11;
	[sflag:s9] =	ssyncadd.s32 $0xFFFFFE00  }
0x9f: {  	[tilespmem:s4], [sflag:$0x1] =	stream.linear.gather [hbm4b:s2+s3], $0x400, $0x38;
	[tilespmem:$0x800] =	vst v63  }
0xa0: {  	_ = 	snop  }
0xa1: {  	[tilespmem:s3], [sflag:$0x2] =	stream.linear.gather [hbm4b:s5+s3], $0x200, $0x38;
	[tilespmem:$0x800] =	vst v63  }
0xa2: {  	_ =	swait.ge [sflag:s6], $0x200  }
0xa3: {  	[sflag:s6] =	ssyncset.done $0x0  }
0xa4: {  	[sflag:s6] =	ssyncadd.s32 $0xFFFFFE00  }
0xa5: {  	_ =	swait.ge [sflag:s7], $0x400  }
0xa6: {  	[sflag:s7] =	ssyncset.done $0x0  }
0xa7: {  	[sflag:s7] =	ssyncadd.s32 $0xFFFFFC00  }
0xa8: {  	v0 =	vld [tilespmem:$0x0]  }
0xa9: {  	v1 =	vld [tilespmem:$0x10]  }
0xaa: {  	v2 =	vld [tilespmem:$0x20]  }
0xab: {  	v3 =	vld [tilespmem:$0x30]  }
0xac: {  	v4 =	vld [tilespmem:$0x40]  }
0xad: {  	v0 =	vmul.f32 $1.000000000e+03, v0;
	v5 =	vld [tilespmem:$0x50]  }
0xae: {  	v1 =	vmul.f32 $1.000000000e+03, v1;
	v6 =	vld [tilespmem:$0x60]  }
0xaf: {  	v0 =	vadd.f32 $8.388608000e+06, v0;
	v2 =	vmul.f32 $1.000000000e+03, v2;
	v7 =	vld [tilespmem:$0x70]  }
0xb0: {  	v1 =	vadd.f32 $8.388608000e+06, v1;
	v3 =	vmul.f32 $1.000000000e+03, v3;
	v8 =	vld [tilespmem:$0x80]  }
0xb1: {  	v0 =	vadd.f32 $-8.388608000e+06, v0;
	v2 =	vadd.f32 $8.388608000e+06, v2;
	v4 =	vmul.f32 $1.000000000e+03, v4;
	v9 =	vld [tilespmem:$0x90]  }
0xb2: {  	v1 =	vadd.f32 $-8.388608000e+06, v1;
	v3 =	vadd.f32 $8.388608000e+06, v3;
	v5 =	vmul.f32 $1.000000000e+03, v5;
	v10 =	vld [tilespmem:$0xA0]  }
0xb3: {  	v0 =	vtrunc.f32 v0;
	v2 =	vadd.f32 $-8.388608000e+06, v2;
	v4 =	vadd.f32 $8.388608000e+06, v4;
	v11 =	vld [tilespmem:$0xB0]  }
0xb4: {  	v0 =	vcvt.f32.s32 v0;
	v12 =	vtrunc.f32 v1;
	v1 =	vadd.f32 $-8.388608000e+06, v3;
	v3 =	vld [tilespmem:$0xC0]  }
0xb5: {  	v5 =	vadd.f32 $8.388608000e+06, v5;
	v2 =	vtrunc.f32 v2;
	v4 =	vadd.f32 $-8.388608000e+06, v4;
	v13 =	vld [tilespmem:$0xD0]  }
0xb6: {  	v14 =	vtrunc.f32 v1;
	v1 =	vmul.f32 $1.000000000e+03, v6;
	v6 =	vld [tilespmem:$0xE0]  }
0xb7: {  	v7 =	vmul.f32 $1.000000000e+03, v7;
	v5 =	vadd.f32 $-8.388608000e+06, v5;
	v4 =	vtrunc.f32 v4;
	v15 =	vld [tilespmem:$0xF0]  }
0xb8: {  	v8 =	vmul.f32 $1.000000000e+03, v8;
	v9 =	vmul.f32 $1.000000000e+03, v9;
	v16 =	vadd.f32 $8.388608000e+06, v1;
	v17 =	vld [tilespmem:$0x100]  }
0xb9: {  	v1 =	vtrunc.f32 v5;
	v5 =	vadd.f32 $8.388608000e+06, v7;
	v7 =	vmul.f32 $1.000000000e+03, v10;
	v10 =	vld [tilespmem:$0x110]  }
0xba: {  	v8 =	vadd.f32 $8.388608000e+06, v8;
	v11 =	vmul.f32 $1.000000000e+03, v11;
	v18 =	vld.idx.msk [tilespmem:v0+s4+$0x0], $0xffff;
	v0 =	vadd.f32 $-8.388608000e+06, v16  }
0xbb: {  	v12 =	vcvt.f32.s32 v12;
	v9 =	vadd.f32 $8.388608000e+06, v9;
	v5 =	vadd.f32 $-8.388608000e+06, v5;
	v16 =	vld [tilespmem:$0x120]  }
0xbc: {  	v8 =	vadd.f32 $-8.388608000e+06, v8;
	v7 =	vadd.f32 $8.388608000e+06, v7;
	v0 =	vtrunc.f32 v0;
	v25 =	vld [tilespmem:$0x130]  }
0xbd: {  	v24 =	vtrunc.f32 v5;
	v5 =	vadd.f32 $-8.388608000e+06, v9;
	v9 =	vadd.f32 $8.388608000e+06, v11;
	v11 =	vld [tilespmem:$0x140]  }
0xbe: {  	v3 =	vmul.f32 $1.000000000e+03, v3;
	v23 =	vtrunc.f32 v8;
	v7 =	vadd.f32 $-8.388608000e+06, v7;
	v8 =	vld [tilespmem:$0x150]  }
0xbf: {  	v22 =	vtrunc.f32 v5;
	v5 =	vadd.f32 $-8.388608000e+06, v9;
	v9 =	vmul.f32 $1.000000000e+03, v13;
	v13 =	vld [tilespmem:$0x160]  }
0xc0: {  	v3 =	vadd.f32 $8.388608000e+06, v3;
	v6 =	vmul.f32 $1.000000000e+03, v6;
	v20 =	vtrunc.f32 v7;
	[tilespmem:$0x600] =	vst v18;
	v7 =	vld [tilespmem:$0x170]  }
0xc1: {  	v19 =	vtrunc.f32 v5;
	v5 =	vadd.f32 $8.388608000e+06, v9;
	v9 =	vmul.f32 $1.000000000e+03, v15;
	v12 =	vld.idx.msk [tilespmem:v12+s4+$0x0], $0xffff  }
0xc2: {  	v2 =	vcvt.f32.s32 v2;
	v3 =	vadd.f32 $-8.388608000e+06, v3;
	v6 =	vadd.f32 $8.388608000e+06, v6;
	v26 =	vld [tilespmem:$0x180]  }
0xc3: {  	v15 =	vmul.f32 $1.000000000e+03, v17;
	v5 =	vadd.f32 $-8.388608000e+06, v5;
	v9 =	vadd.f32 $8.388608000e+06, v9;
	v27 =	vld [tilespmem:$0x190]  }
0xc4: {  	v21 =	vtrunc.f32 v3;
	v3 =	vadd.f32 $-8.388608000e+06, v6;
	v6 =	vmul.f32 $1.000000000e+03, v10;
	v28 =	vld [tilespmem:$0x1A0]  }
0xc5: {  	v18 =	vtrunc.f32 v5;
	v5 =	vadd.f32 $-8.388608000e+06, v9;
	v9 =	vadd.f32 $8.388608000e+06, v15;
	v29 =	vld [tilespmem:$0x1B0]  }
0xc6: {  	v17 =	vtrunc.f32 v3;
	v3 =	vadd.f32 $8.388608000e+06, v6;
	v6 =	vmul.f32 $1.000000000e+03, v16;
	v30 =	vld [tilespmem:$0x1C0]  }
0xc7: {  	v15 =	vtrunc.f32 v5;
	v5 =	vadd.f32 $-8.388608000e+06, v9;
	v9 =	vmul.f32 $1.000000000e+03, v25;
	[tilespmem:$0x610] =	vst v12;
	v25 =	vld [tilespmem:$0x1D0]  }
0xc8: {  	v10 =	vmul.f32 $1.000000000e+03, v11;
	v3 =	vadd.f32 $-8.388608000e+06, v3;
	v6 =	vadd.f32 $8.388608000e+06, v6;
	v2 =	vld.idx.msk [tilespmem:v2+s4+$0x0], $0xffff  }
0xc9: {  	v11 =	vcvt.f32.s32 v14;
	v16 =	vtrunc.f32 v5;
	v5 =	vadd.f32 $8.388608000e+06, v9;
	v31 =	vld [tilespmem:$0x1E0]  }
0xca: {  	v14 =	vtrunc.f32 v3;
	v3 =	vadd.f32 $-8.388608000e+06, v6;
	v6 =	vadd.f32 $8.388608000e+06, v10;
	v32 =	vld [tilespmem:$0x1F0]  }
0xcb: {  	v8 =	vmul.f32 $1.000000000e+03, v8;
	v9 =	vmul.f32 $1.000000000e+03, v13;
	v5 =	vadd.f32 $-8.388608000e+06, v5  }
0xcc: {  	v13 =	vtrunc.f32 v3;
	v3 =	vadd.f32 $-8.388608000e+06, v6;
	v6 =	vmul.f32 $1.000000000e+03, v7  }
0xcd: {  	v7 =	vadd.f32 $8.388608000e+06, v9;
	v12 =	vtrunc.f32 v5;
	v5 =	vadd.f32 $8.388608000e+06, v8  }
0xce: {  	v10 =	vtrunc.f32 v3;
	v3 =	vmul.f32 $1.000000000e+03, v26;
	[tilespmem:$0x620] =	vst v2;
	v2 =	vadd.f32 $8.388608000e+06, v6  }
0xcf: {  	v7 =	vadd.f32 $-8.388608000e+06, v7;
	v8 =	vmul.f32 $1.000000000e+03, v27;
	v5 =	vadd.f32 $-8.388608000e+06, v5;
	v6 =	vld.idx.msk [tilespmem:v11+s4+$0x0], $0xffff  }
0xd0: {  	v4 =	vcvt.f32.s32 v4;
	v3 =	vadd.f32 $8.388608000e+06, v3;
	v2 =	vadd.f32 $-8.388608000e+06, v2  }
0xd1: {  	v9 =	vtrunc.f32 v7;
	v11 =	vtrunc.f32 v5;
	v5 =	vadd.f32 $8.388608000e+06, v8  }
0xd2: {  	v8 =	vtrunc.f32 v2;
	v2 =	vadd.f32 $-8.388608000e+06, v3;
	v3 =	vmul.f32 $1.000000000e+03, v28  }
0xd3: {  	v26 =	vmul.f32 $1.000000000e+03, v29;
	v27 =	vmul.f32 $1.000000000e+03, v30;
	v5 =	vadd.f32 $-8.388608000e+06, v5  }
0xd4: {  	v7 =	vtrunc.f32 v2;
	v2 =	vadd.f32 $8.388608000e+06, v3;
	v3 =	vmul.f32 $1.000000000e+03, v25  }
0xd5: {  	v5 =	vtrunc.f32 v5;
	v25 =	vadd.f32 $8.388608000e+06, v27;
	[tilespmem:$0x630] =	vst v6;
	v6 =	vadd.f32 $8.388608000e+06, v26  }
0xd6: {  	v26 =	vld.idx.msk [tilespmem:v4+s4+$0x0], $0xffff;
	v2 =	vadd.f32 $-8.388608000e+06, v2;
	v3 =	vadd.f32 $8.388608000e+06, v3;
	v4 =	vmul.f32 $1.000000000e+03, v31  }
0xd7: {  	v27 =	vcvt.f32.s32 v1;
	v25 =	vadd.f32 $-8.388608000e+06, v25;
	v1 =	vadd.f32 $-8.388608000e+06, v6  }
0xd8: {  	v6 =	vtrunc.f32 v2;
	v2 =	vadd.f32 $-8.388608000e+06, v3;
	v28 =	vadd.f32 $8.388608000e+06, v4  }
0xd9: {  	v3 =	vtrunc.f32 v25;
	v4 =	vtrunc.f32 v1  }
0xda: {  	v25 =	vmul.f32 $1.000000000e+03, v32;
	v2 =	vtrunc.f32 v2;
	v1 =	vadd.f32 $-8.388608000e+06, v28;
	_ =	sdelay $0x1  }
0xdb: {  	v25 =	vadd.f32 $8.388608000e+06, v25;
	[tilespmem:$0x640] =	vst v26;
	v1 =	vtrunc.f32 v1  }
0xdc: {  	v26 =	vld.idx.msk [tilespmem:v27+s4+$0x0], $0xffff  }
0xdd: {  	v27 =	vcvt.f32.s32 v0;
	v0 =	vadd.f32 $-8.388608000e+06, v25;
	_ =	sdelay $0x1  }
0xde: {  	v0 =	vtrunc.f32 v0;
	_ =	sdelay $0x2  }
0xdf: {  	[tilespmem:$0x650] =	vst v26  }
0xe0: {  	v25 =	vld.idx.msk [tilespmem:v27+s4+$0x0], $0xffff  }
0xe1: {  	v24 =	vcvt.f32.s32 v24;
	_ =	sdelay $0x4  }
0xe2: {  	[tilespmem:$0x660] =	vst v25  }
0xe3: {  	v24 =	vld.idx.msk [tilespmem:v24+s4+$0x0], $0xffff  }
0xe4: {  	v23 =	vcvt.f32.s32 v23;
	_ =	sdelay $0x4  }
0xe5: {  	[tilespmem:$0x670] =	vst v24  }
0xe6: {  	v23 =	vld.idx.msk [tilespmem:v23+s4+$0x0], $0xffff  }
0xe7: {  	v22 =	vcvt.f32.s32 v22;
	_ =	sdelay $0x4  }
0xe8: {  	[tilespmem:$0x680] =	vst v23  }
0xe9: {  	v22 =	vld.idx.msk [tilespmem:v22+s4+$0x0], $0xffff  }
0xea: {  	v20 =	vcvt.f32.s32 v20;
	_ =	sdelay $0x4  }
0xeb: {  	[tilespmem:$0x690] =	vst v22  }
0xec: {  	v20 =	vld.idx.msk [tilespmem:v20+s4+$0x0], $0xffff  }
0xed: {  	v19 =	vcvt.f32.s32 v19;
	_ =	sdelay $0x4  }
0xee: {  	[tilespmem:$0x6A0] =	vst v20  }
0xef: {  	v19 =	vld.idx.msk [tilespmem:v19+s4+$0x0], $0xffff  }
0xf0: {  	v20 =	vcvt.f32.s32 v21;
	_ =	sdelay $0x4  }
0xf1: {  	[tilespmem:$0x6B0] =	vst v19  }
0xf2: {  	v19 =	vld.idx.msk [tilespmem:v20+s4+$0x0], $0xffff  }
0xf3: {  	v18 =	vcvt.f32.s32 v18;
	_ =	sdelay $0x4  }
0xf4: {  	[tilespmem:$0x6C0] =	vst v19  }
0xf5: {  	v18 =	vld.idx.msk [tilespmem:v18+s4+$0x0], $0xffff  }
0xf6: {  	v17 =	vcvt.f32.s32 v17;
	_ =	sdelay $0x4  }
0xf7: {  	[tilespmem:$0x6D0] =	vst v18  }
0xf8: {  	v17 =	vld.idx.msk [tilespmem:v17+s4+$0x0], $0xffff  }
0xf9: {  	v15 =	vcvt.f32.s32 v15;
	_ =	sdelay $0x4  }
0xfa: {  	[tilespmem:$0x6E0] =	vst v17  }
0xfb: {  	v15 =	vld.idx.msk [tilespmem:v15+s4+$0x0], $0xffff  }
0xfc: {  	v16 =	vcvt.f32.s32 v16;
	_ =	sdelay $0x4  }
0xfd: {  	[tilespmem:$0x6F0] =	vst v15  }
0xfe: {  	v15 =	vld.idx.msk [tilespmem:v16+s4+$0x0], $0xffff  }
0xff: {  	v14 =	vcvt.f32.s32 v14;
	_ =	sdelay $0x4  }
0x100: {  	[tilespmem:$0x700] =	vst v15  }
0x101: {  	v14 =	vld.idx.msk [tilespmem:v14+s4+$0x0], $0xffff  }
0x102: {  	v13 =	vcvt.f32.s32 v13;
	_ =	sdelay $0x4  }
0x103: {  	[tilespmem:$0x710] =	vst v14  }
0x104: {  	v13 =	vld.idx.msk [tilespmem:v13+s4+$0x0], $0xffff  }
0x105: {  	v12 =	vcvt.f32.s32 v12;
	_ =	sdelay $0x4  }
0x106: {  	[tilespmem:$0x720] =	vst v13  }
0x107: {  	v12 =	vld.idx.msk [tilespmem:v12+s4+$0x0], $0xffff  }
0x108: {  	v10 =	vcvt.f32.s32 v10;
	_ =	sdelay $0x4  }
0x109: {  	[tilespmem:$0x730] =	vst v12  }
0x10a: {  	v10 =	vld.idx.msk [tilespmem:v10+s4+$0x0], $0xffff  }
0x10b: {  	v11 =	vcvt.f32.s32 v11;
	_ =	sdelay $0x4  }
0x10c: {  	[tilespmem:$0x740] =	vst v10  }
0x10d: {  	v10 =	vld.idx.msk [tilespmem:v11+s4+$0x0], $0xffff  }
0x10e: {  	v9 =	vcvt.f32.s32 v9;
	_ =	sdelay $0x4  }
0x10f: {  	[tilespmem:$0x750] =	vst v10  }
0x110: {  	v9 =	vld.idx.msk [tilespmem:v9+s4+$0x0], $0xffff  }
0x111: {  	v8 =	vcvt.f32.s32 v8;
	_ =	sdelay $0x4  }
0x112: {  	[tilespmem:$0x760] =	vst v9  }
0x113: {  	v8 =	vld.idx.msk [tilespmem:v8+s4+$0x0], $0xffff  }
0x114: {  	v7 =	vcvt.f32.s32 v7;
	_ =	sdelay $0x4  }
0x115: {  	[tilespmem:$0x770] =	vst v8  }
0x116: {  	v7 =	vld.idx.msk [tilespmem:v7+s4+$0x0], $0xffff  }
0x117: {  	v5 =	vcvt.f32.s32 v5;
	_ =	sdelay $0x4  }
0x118: {  	[tilespmem:$0x780] =	vst v7  }
0x119: {  	v5 =	vld.idx.msk [tilespmem:v5+s4+$0x0], $0xffff  }
0x11a: {  	v6 =	vcvt.f32.s32 v6;
	_ =	sdelay $0x4  }
0x11b: {  	[tilespmem:$0x790] =	vst v5  }
0x11c: {  	v5 =	vld.idx.msk [tilespmem:v6+s4+$0x0], $0xffff  }
0x11d: {  	v4 =	vcvt.f32.s32 v4;
	_ =	sdelay $0x4  }
0x11e: {  	[tilespmem:$0x7A0] =	vst v5  }
0x11f: {  	v4 =	vld.idx.msk [tilespmem:v4+s4+$0x0], $0xffff  }
0x120: {  	v3 =	vcvt.f32.s32 v3;
	_ =	sdelay $0x4  }
0x121: {  	[tilespmem:$0x7B0] =	vst v4  }
0x122: {  	v3 =	vld.idx.msk [tilespmem:v3+s4+$0x0], $0xffff  }
0x123: {  	v2 =	vcvt.f32.s32 v2;
	_ =	sdelay $0x4  }
0x124: {  	[tilespmem:$0x7C0] =	vst v3  }
0x125: {  	v2 =	vld.idx.msk [tilespmem:v2+s4+$0x0], $0xffff  }
0x126: {  	v1 =	vcvt.f32.s32 v1;
	_ =	sdelay $0x4  }
0x127: {  	[tilespmem:$0x7D0] =	vst v2  }
0x128: {  	v1 =	vld.idx.msk [tilespmem:v1+s4+$0x0], $0xffff  }
0x129: {  	v0 =	vcvt.f32.s32 v0;
	_ =	sdelay $0x4  }
0x12a: {  	[tilespmem:$0x7E0] =	vst v1  }
0x12b: {  	v0 =	vld.idx.msk [tilespmem:v0+s4+$0x0], $0xffff;
	_ =	sdelay $0x4  }
.Ltmp1:
0x12c: {  	(pc) =	sbr.rel @p0 .LBB2_1-.Ltmp1, $4  }
0x12d: {  	[tilespmem:$0x7F0] =	vst v0  }
0x12e: {  	[hbm4b:s8+s3] =	stream.linear.scatter [tilespmem:s10], [sflag:$0x3], $0x200, $0x38;
	[tilespmem:$0x800] =	vst v63  }
0x12f: {  	_ =	swait.ge [sflag:s9], $0x200  }
0x130: {  	[sflag:s9] =	ssyncset.done $0x0  }
.LBB2_2:
0x131: {  	[sflag:s9] =	ssyncadd.s32 $0xFFFFFE00  }
0x132: {  	_ =	sfence.sel $0x180000  }
0x133: {  	[bflag:$0x0] =	sbarrier.arrive $0xFFFF  }
0x134: {  	p0 =	sne.s32 s1, $0x0;
	_ =	strace $0x90000047  }
0x135: {  	s0 =	sadd.s32 @!p0 $0x100000, s0;
	[bflag:$0x2] =	sbarrier.arrive $0xFFFF  }
0x136: {  	[sflag:s0] =	ssyncadd.tile.s32 @!p0 $0x1;
	_ =	shalt  }
.Lfunc_end2:
_tile_overlayer_lowered:
.L_overlay_start_2:
0x137: {  	(tag) =	ssettag $0x2  }
0x138: {  	s0 =	rddreg [dreg:$0x0];
	s2 =	stileid.u32  }
0x139: {  	s1 =	rddreg [dreg:$0x1];
	p0 =	sne.s32 s2, $0x0  }
0x13a: {  	s3 =	rddreg [dreg:$0x2];
	[bflag:$0x3] =	sbarrier.arrive $0xFFFF;
	s2 =	simm.s32 @!p0 $0x1C03  }
0x13b: {  	[timem:s3], [sflag:s2] =	dma.local @!p0 [hbm:s0], s1  }
0x13c: {  	s0 =	simm.s32 @!p0 $0x3  }
0x13d: {  	_ =	swait.ge @!p0 [sflag:s0], s1  }
0x13e: {  	s1 =	ssub.s32 @!p0 $0x0, s1;
	[sflag:s0] =	ssyncset.done @!p0 $0x0  }
0x13f: {  	[sflag:s0] =	ssyncadd.s32 @!p0 s1  }
0x140: {  	[bflag:$0x3] =	sbarrier.arrive $0xFFFF  }
0x141: {  	_ =	shalt  }

</sc_bundles>
